<compile_context>
chip_gen: v7x
topology: tpu7x:2x2x1
jax: 0.10.2.dev20260603
libtpu: 0.0.44.dev20260713+nightly
codegen_flags: <defaults>
</compile_context>

<pallas_src>
import numpy as np
import jax
import jax.numpy as jnp
from jax import lax
from jax.experimental import pallas as pl
from jax.experimental.pallas import tpu as pltpu
from jax.experimental.pallas import tpu_sc as plsc

_GRID_SIZE = 32
_DEGREE = 3
_NUM_CP = _GRID_SIZE - 1 + _DEGREE + 1
_NUM_SEG = _NUM_CP - _DEGREE

_KNOTS = (np.arange(_GRID_SIZE + 2 * _DEGREE, dtype=np.float32)
          * np.float32(np.float32(1.0) / np.float32(_GRID_SIZE + 2 * _DEGREE - 1)))
_DMIN = float(_KNOTS[_DEGREE])
_DMAX = float(_KNOTS[-_DEGREE - 1])
_DEN = float(np.float32(np.float32(_DMAX - _DMIN) + np.float32(1e-6)))

_PSI = (np.array([[1., 4., 1., 0.],
                  [-3., 0., 3., 0.],
                  [3., -6., 3., 0.],
                  [-1., 3., -3., 1.]], dtype=np.float64) / 6.0).astype(np.float32)

_SC_NC = 2
_SC_NS = 16
_SC_NW = _SC_NC * _SC_NS
_SC_L = 16
_SC_CHUNK = 16384
_SC_VEC_PER_ROW = 64


def _sc_body(x_hbm, cp_hbm, out_hbm, cp_v, x_v, o_v):
    n_elems = x_hbm.shape[0]
    elems_per_w = n_elems // _SC_NW
    n_chunks = elems_per_w // _SC_CHUNK
    row_len = _SC_VEC_PER_ROW * _SC_L

    wid = lax.axis_index("s") * _SC_NC + lax.axis_index("c")
    pltpu.sync_copy(cp_hbm, cp_v)

    iota35 = lax.iota(jnp.int32, _SC_L) * _NUM_CP
    base = wid * elems_per_w

    def chunk_body(ch, _):
        e0 = base + ch * _SC_CHUNK
        pltpu.sync_copy(x_hbm.at[pl.ds(e0, _SC_CHUNK)], x_v)

        @plsc.parallel_loop(0, _SC_CHUNK, step=_SC_L, unroll=8)
        def vec_body(off):
            x16 = x_v[pl.ds(off, _SC_L)]
            xc = jnp.minimum(jnp.maximum(x16, _DMIN), _DMAX)
            i1 = jnp.clip((xc * jnp.float32(37.0)).astype(jnp.int32) + 1, 4, 34)
            i1 = jnp.where(xc <= _DMIN, 3, jnp.where(xc >= _DMAX, 34, i1))
            u = jnp.clip((xc - _DMIN) / _DEN, 0.0, 1.0)
            col0 = off % row_len
            idx0 = iota35 + (col0 * _NUM_CP - _DEGREE) + i1
            acc = None
            for j in range(4):
                gj = plsc.load_gather(cp_v, [idx0 + j])
                bj = (((_PSI[3, j] * u + _PSI[2, j]) * u + _PSI[1, j]) * u
                      + _PSI[0, j])
                term = bj * gj
                acc = term if acc is None else acc + term
            o_v[pl.ds(off, _SC_L)] = acc

        pltpu.sync_copy(o_v, out_hbm.at[pl.ds(e0, _SC_CHUNK)])
        return ()

    lax.fori_loop(0, n_chunks, chunk_body, ())


def kernel(x, control_points):
    b, d = x.shape
    run = pl.kernel(
        _sc_body,
        out_type=jax.ShapeDtypeStruct((b * d,), jnp.float32),
        mesh=plsc.VectorSubcoreMesh(core_axis_name="c", subcore_axis_name="s"),
        scratch_types=[
            pltpu.VMEM((control_points.size,), jnp.float32),
            pltpu.VMEM((_SC_CHUNK,), jnp.float32),
            pltpu.VMEM((_SC_CHUNK,), jnp.float32),
        ],
        compiler_params=pltpu.CompilerParams(needs_layout_passes=False),
    )
    return run(x.reshape(-1), control_points.reshape(-1)).reshape(b, d)

# --- scband reference (transcript-rebuilt; emitter-appended) ---
"""Pipeline reference for scband-spline-basis-29094108463611 (READ-ONLY COPY).

The authoritative reference and input builder live on the scoring server;
editing this copy changes nothing except your own understanding.
"""

import jax, jax.numpy as jnp
import numpy as np

GRID_SIZE = 32
DEGREE = 3
OUTPUT_DIM = 1024
BATCH = 8192
NUM_CP = GRID_SIZE - 1 + DEGREE + 1  # 35


def _psi_k_matrix():
    # Uniform cubic B-spline basis matrix (MatrixKAN Psi^k for k = degree+1 = 4).
    # [1, u, u^2, u^3] @ Psi gives the 4 active B-spline basis values.
    m = np.array([[1., 4., 1., 0.],
                  [-3., 0., 3., 0.],
                  [3., -6., 3., 0.],
                  [-1., 3., -3., 1.]], dtype=np.float32) / 6.0
    return jnp.asarray(m)


def setup_inputs(seed: int = 0) -> dict:
    key = jax.random.key(seed)
    k1, k2 = jax.random.split(key)
    x = jax.random.uniform(k1, (BATCH, OUTPUT_DIM), dtype=jnp.float32)
    control_points = jax.random.normal(k2, (OUTPUT_DIM, NUM_CP), dtype=jnp.float32) * 0.1
    return {"x": x, "control_points": control_points}


def reference(x, control_points):
    B, D = x.shape
    knots = jnp.linspace(0.0, 1.0, GRID_SIZE + DEGREE * 2).astype(jnp.float32)
    psi = _psi_k_matrix()
    domain_min = knots[DEGREE]
    domain_max = knots[-DEGREE - 1]
    x_clamped = jnp.clip(x, domain_min, domain_max)
    u = (x_clamped - domain_min) / (domain_max - domain_min + 1e-06)
    u = jnp.clip(u, 0.0, 1.0)
    power_basis = jnp.stack([u ** i for i in range(DEGREE + 1)], axis=-1)  # (B, D, k)
    bspline_basis_vals = jnp.matmul(power_basis, psi)  # (B, D, k)
    # segment lookup via searchsorted on the knot vector (histogram binning)
    seg = jnp.searchsorted(knots, x_clamped.reshape(-1), side='left') - DEGREE
    seg = jnp.clip(seg, 0, NUM_CP - DEGREE - 1).reshape(B, D, 1)
    offsets = jnp.arange(DEGREE + 1).reshape(1, 1, -1)
    full_idx = jnp.clip(seg + offsets, 0, NUM_CP - 1)  # (B, D, k)
    d_idx = jnp.arange(D).reshape(1, D, 1)
    active_control_points = control_points[d_idx, full_idx]  # (B, D, k) gather
    output = (bspline_basis_vals * active_control_points).sum(axis=-1)
    return output

if __name__ == "__main__":
    import jax
    _d = setup_inputs()
    print(jax.jit(kernel)(*tuple(_d.values())))

</pallas_src>

<mosaic_0001>
#map = affine_map<(d0, d1) -> (0)>
module attributes {stable_mosaic.version = 14 : i64} {
  func.func @_sc_body(%arg0: i32, %arg1: i32, %arg2: memref<8388608xf32, #tpu.memory_space<hbm>>, %arg3: memref<35840xf32, #tpu.memory_space<hbm>>, %arg4: memref<8388608xf32, #tpu.memory_space<hbm>>, %arg5: memref<35840xf32, #tpu.memory_space<vmem>>, %arg6: memref<16384xf32, #tpu.memory_space<vmem>>, %arg7: memref<16384xf32, #tpu.memory_space<vmem>>) attributes {dimension_semantics = [#tpu.dimension_semantics<core_parallel>, #tpu.dimension_semantics<subcore_parallel>], iteration_bounds = array<i64: 2, 16>, scalar_prefetch = 0 : i64, scratch_operands = 3 : i64, tpu.core_type = #tpu.core_type<sc_vector_subcore>, window_params = [{transform_indices = #map}, {transform_indices = #map}, {transform_indices = #map}]} {
    %mul3A = arith.constant 2 : i32
    %mul3A_0 = arith.muli %arg1, %mul3A : i32
    %add3A = arith.addi %mul3A_0, %arg0 : i32
    "tpu.region"() ({
      %run_scoped3A = tpu.sem_alloc : memref<!tpu.dma_semaphore, #tpu.memory_space<semaphore_mem>>
      tpu.enqueue_dma source(%arg3 : memref<35840xf32, #tpu.memory_space<hbm>>) target(%arg5 : memref<35840xf32, #tpu.memory_space<vmem>>) target_semaphore(%run_scoped3A : memref<!tpu.dma_semaphore, #tpu.memory_space<semaphore_mem>>)
      tpu.wait_dma2 semaphore(%run_scoped3A : memref<!tpu.dma_semaphore, #tpu.memory_space<semaphore_mem>>) src(%arg3 : memref<35840xf32, #tpu.memory_space<hbm>>) dst(%arg5 : memref<35840xf32, #tpu.memory_space<vmem>>)
      tpu.yield
    }) : () -> ()
    %iota3A = tpu.iota {dimensions = array<i32: 0>} : vector<16xi32>
    %mul3A_1 = arith.constant 35 : i32
    %mul3A_2 = vector.broadcast %mul3A_1 : i32 to vector<16xi32>
    %mul3A_3 = arith.muli %iota3A, %mul3A_2 : vector<16xi32>
    %mul3A_4 = arith.constant 262144 : i32
    %mul3A_5 = arith.muli %add3A, %mul3A_4 : i32
    %scan3A = arith.constant 0 : i32
    %scan3A_6 = arith.constant 16 : i32
    %scan3A_7 = arith.addi %scan3A, %scan3A_6 : i32
    %scan3A_8 = arith.constant 1 : i32
    scf.for %scan3A_10 = %scan3A to %scan3A_7 step %scan3A_8  : i32 {
      %mul3A_11 = arith.constant 16384 : i32
      %mul3A_12 = arith.muli %scan3A_10, %mul3A_11 : i32
      %add3A_13 = arith.addi %mul3A_5, %mul3A_12 : i32
      "tpu.region"() ({
        %run_scoped3A = tpu.sem_alloc : memref<!tpu.dma_semaphore, #tpu.memory_space<semaphore_mem>>
        %dma_start3A = tpu.memref_slice %arg2[%add3A_13] : memref<8388608xf32, #tpu.memory_space<hbm>> -> memref<16384xf32, #tpu.memory_space<hbm>>
        %dma_start3A_16 = tpu.memref_slice %arg2[%add3A_13] : memref<8388608xf32, #tpu.memory_space<hbm>> -> memref<16384xf32, #tpu.memory_space<hbm>>
        tpu.enqueue_dma source(%dma_start3A_16 : memref<16384xf32, #tpu.memory_space<hbm>>) target(%arg6 : memref<16384xf32, #tpu.memory_space<vmem>>) target_semaphore(%run_scoped3A : memref<!tpu.dma_semaphore, #tpu.memory_space<semaphore_mem>>)
        %dma_wait3A = tpu.memref_slice %arg2[%add3A_13] : memref<8388608xf32, #tpu.memory_space<hbm>> -> memref<16384xf32, #tpu.memory_space<hbm>>
        %dma_wait3A_17 = tpu.memref_slice %arg2[%add3A_13] : memref<8388608xf32, #tpu.memory_space<hbm>> -> memref<16384xf32, #tpu.memory_space<hbm>>
        tpu.wait_dma2 semaphore(%run_scoped3A : memref<!tpu.dma_semaphore, #tpu.memory_space<semaphore_mem>>) src(%dma_wait3A_17 : memref<16384xf32, #tpu.memory_space<hbm>>) dst(%arg6 : memref<16384xf32, #tpu.memory_space<vmem>>)
        tpu.yield
      }) : () -> ()
      %parallel_loop3A = arith.constant 0 : i32
      %parallel_loop3A_14 = arith.constant 16384 : i32
      %parallel_loop3A_15 = arith.constant 16 : i32
      scf.for %parallel_loop3A_16 = %parallel_loop3A to %parallel_loop3A_14 step %parallel_loop3A_15  : i32 {
        %parallel_loop3A_17 = arith.index_cast %parallel_loop3A_16 : i32 to index
        %parallel_loop3A_18 = tpu.vector_load %arg6[%parallel_loop3A_17] {strides = array<i32>} : memref<16384xf32, #tpu.memory_space<vmem>>, vector<16xf32>,
        %parallel_loop3A_19 = arith.constant 0.0810810849 : f32
        %parallel_loop3A_20 = vector.broadcast %parallel_loop3A_19 : f32 to vector<16xf32>
        %parallel_loop3A_21 = arith.maximumf %parallel_loop3A_18, %parallel_loop3A_20 : vector<16xf32>
        %parallel_loop3A_22 = arith.constant 0.918918967 : f32
        %parallel_loop3A_23 = vector.broadcast %parallel_loop3A_22 : f32 to vector<16xf32>
        %parallel_loop3A_24 = arith.minimumf %parallel_loop3A_21, %parallel_loop3A_23 : vector<16xf32>
        %parallel_loop3A_25 = arith.constant 3.700000e+01 : f32
        %parallel_loop3A_26 = vector.broadcast %parallel_loop3A_25 : f32 to vector<16xf32>
        %parallel_loop3A_27 = arith.mulf %parallel_loop3A_24, %parallel_loop3A_26 : vector<16xf32>
        %parallel_loop3A_28 = arith.fptosi %parallel_loop3A_27 : vector<16xf32> to vector<16xi32>
        %parallel_loop3A_29 = arith.constant 1 : i32
        %parallel_loop3A_30 = vector.broadcast %parallel_loop3A_29 : i32 to vector<16xi32>
        %parallel_loop3A_31 = arith.addi %parallel_loop3A_28, %parallel_loop3A_30 : vector<16xi32>
        %parallel_loop3A_32 = arith.constant 4 : i32
        %parallel_loop3A_33 = arith.constant 34 : i32
        %parallel_loop3A_34 = vector.broadcast %parallel_loop3A_32 : i32 to vector<16xi32>
        %parallel_loop3A_35 = arith.maxsi %parallel_loop3A_34, %parallel_loop3A_31 : vector<16xi32>
        %parallel_loop3A_36 = vector.broadcast %parallel_loop3A_33 : i32 to vector<16xi32>
        %parallel_loop3A_37 = arith.minsi %parallel_loop3A_36, %parallel_loop3A_35 : vector<16xi32>
        %parallel_loop3A_38 = arith.constant 0.0810810849 : f32
        %parallel_loop3A_39 = vector.broadcast %parallel_loop3A_38 : f32 to vector<16xf32>
        %parallel_loop3A_40 = arith.cmpf ole, %parallel_loop3A_24, %parallel_loop3A_39 : vector<16xf32>
        %parallel_loop3A_41 = arith.constant 0.918918967 : f32
        %parallel_loop3A_42 = vector.broadcast %parallel_loop3A_41 : f32 to vector<16xf32>
        %parallel_loop3A_43 = arith.cmpf oge, %parallel_loop3A_24, %parallel_loop3A_42 : vector<16xf32>
        %parallel_loop3A_44 = arith.constant 34 : i32
        %parallel_loop3A_45 = vector.broadcast %parallel_loop3A_44 : i32 to vector<16xi32>
        %parallel_loop3A_46 = arith.select %parallel_loop3A_43, %parallel_loop3A_45, %parallel_loop3A_37 : vector<16xi1>, vector<16xi32>
        %parallel_loop3A_47 = arith.constant 3 : i32
        %parallel_loop3A_48 = vector.broadcast %parallel_loop3A_47 : i32 to vector<16xi32>
        %parallel_loop3A_49 = arith.select %parallel_loop3A_40, %parallel_loop3A_48, %parallel_loop3A_46 : vector<16xi1>, vector<16xi32>
        %parallel_loop3A_50 = arith.constant 0.0810810849 : f32
        %parallel_loop3A_51 = vector.broadcast %parallel_loop3A_50 : f32 to vector<16xf32>
        %parallel_loop3A_52 = arith.subf %parallel_loop3A_24, %parallel_loop3A_51 : vector<16xf32>
        %parallel_loop3A_53 = arith.constant 0.837838888 : f32
        %parallel_loop3A_54 = vector.broadcast %parallel_loop3A_53 : f32 to vector<16xf32>
        %parallel_loop3A_55 = arith.divf %parallel_loop3A_52, %parallel_loop3A_54 : vector<16xf32>
        %parallel_loop3A_56 = arith.constant 0.000000e+00 : f32
        %parallel_loop3A_57 = arith.constant 1.000000e+00 : f32
        %parallel_loop3A_58 = vector.broadcast %parallel_loop3A_56 : f32 to vector<16xf32>
        %parallel_loop3A_59 = arith.maximumf %parallel_loop3A_58, %parallel_loop3A_55 : vector<16xf32>
        %parallel_loop3A_60 = vector.broadcast %parallel_loop3A_57 : f32 to vector<16xf32>
        %parallel_loop3A_61 = arith.minimumf %parallel_loop3A_60, %parallel_loop3A_59 : vector<16xf32>
        %parallel_loop3A_62 = arith.constant 1024 : i32
        %parallel_loop3A_63 = arith.constant 0 : i32
        %parallel_loop3A_64 = arith.cmpi eq, %parallel_loop3A_62, %parallel_loop3A_63 : i32
        %parallel_loop3A_65 = arith.constant 1 : i32
        %parallel_loop3A_66 = arith.select %parallel_loop3A_64, %parallel_loop3A_65, %parallel_loop3A_62 : i32
        %parallel_loop3A_67 = arith.remsi %parallel_loop3A_16, %parallel_loop3A_66 : i32
        %parallel_loop3A_68 = arith.constant 0 : i32
        %parallel_loop3A_69 = arith.cmpi ne, %parallel_loop3A_67, %parallel_loop3A_68 : i32
        %parallel_loop3A_70 = arith.constant 0 : i32
        %parallel_loop3A_71 = arith.cmpi slt, %parallel_loop3A_67, %parallel_loop3A_70 : i32
        %parallel_loop3A_72 = arith.constant 0 : i32
        %parallel_loop3A_73 = arith.cmpi slt, %parallel_loop3A_66, %parallel_loop3A_72 : i32
        %parallel_loop3A_74 = arith.xori %parallel_loop3A_71, %parallel_loop3A_73 : i1
        %parallel_loop3A_75 = arith.andi %parallel_loop3A_74, %parallel_loop3A_69 : i1
        %parallel_loop3A_76 = arith.addi %parallel_loop3A_67, %parallel_loop3A_66 : i32
        %parallel_loop3A_77 = arith.select %parallel_loop3A_75, %parallel_loop3A_76, %parallel_loop3A_67 : i32
        %parallel_loop3A_78 = arith.constant 35 : i32
        %parallel_loop3A_79 = arith.muli %parallel_loop3A_77, %parallel_loop3A_78 : i32
        %parallel_loop3A_80 = arith.constant 3 : i32
        %parallel_loop3A_81 = arith.subi %parallel_loop3A_79, %parallel_loop3A_80 : i32
        %parallel_loop3A_82 = vector.broadcast %parallel_loop3A_81 : i32 to vector<16xi32>
        %parallel_loop3A_83 = arith.addi %mul3A_3, %parallel_loop3A_82 : vector<16xi32>
        %parallel_loop3A_84 = arith.addi %parallel_loop3A_83, %parallel_loop3A_49 : vector<16xi32>
        %parallel_loop3A_85 = arith.constant 0 : i32
        %parallel_loop3A_86 = vector.broadcast %parallel_loop3A_85 : i32 to vector<16xi32>
        %parallel_loop3A_87 = arith.addi %parallel_loop3A_84, %parallel_loop3A_86 : vector<16xi32>
        %parallel_loop3A_88 = tpu.vector_load_idx %arg5[%parallel_loop3A_87] : memref<35840xf32, #tpu.memory_space<vmem>>[vector<16xi32>], vector<16xf32>,
        %parallel_loop3A_89 = arith.constant -0.166666672 : f32
        %parallel_loop3A_90 = vector.broadcast %parallel_loop3A_89 : f32 to vector<16xf32>
        %parallel_loop3A_91 = arith.mulf %parallel_loop3A_90, %parallel_loop3A_61 : vector<16xf32>
        %parallel_loop3A_92 = arith.constant 5.000000e-01 : f32
        %parallel_loop3A_93 = vector.broadcast %parallel_loop3A_92 : f32 to vector<16xf32>
        %parallel_loop3A_94 = arith.addf %parallel_loop3A_91, %parallel_loop3A_93 : vector<16xf32>
        %parallel_loop3A_95 = arith.mulf %parallel_loop3A_94, %parallel_loop3A_61 : vector<16xf32>
        %parallel_loop3A_96 = arith.constant -5.000000e-01 : f32
        %parallel_loop3A_97 = vector.broadcast %parallel_loop3A_96 : f32 to vector<16xf32>
        %parallel_loop3A_98 = arith.addf %parallel_loop3A_95, %parallel_loop3A_97 : vector<16xf32>
        %parallel_loop3A_99 = arith.mulf %parallel_loop3A_98, %parallel_loop3A_61 : vector<16xf32>
        %parallel_loop3A_100 = arith.constant 0.166666672 : f32
        %parallel_loop3A_101 = vector.broadcast %parallel_loop3A_100 : f32 to vector<16xf32>
        %parallel_loop3A_102 = arith.addf %parallel_loop3A_99, %parallel_loop3A_101 : vector<16xf32>
        %parallel_loop3A_103 = arith.mulf %parallel_loop3A_102, %parallel_loop3A_88 : vector<16xf32>
        %parallel_loop3A_104 = arith.constant 1 : i32
        %parallel_loop3A_105 = vector.broadcast %parallel_loop3A_104 : i32 to vector<16xi32>
        %parallel_loop3A_106 = arith.addi %parallel_loop3A_84, %parallel_loop3A_105 : vector<16xi32>
        %parallel_loop3A_107 = tpu.vector_load_idx %arg5[%parallel_loop3A_106] : memref<35840xf32, #tpu.memory_space<vmem>>[vector<16xi32>], vector<16xf32>,
        %parallel_loop3A_108 = arith.constant 5.000000e-01 : f32
        %parallel_loop3A_109 = vector.broadcast %parallel_loop3A_108 : f32 to vector<16xf32>
        %parallel_loop3A_110 = arith.mulf %parallel_loop3A_109, %parallel_loop3A_61 : vector<16xf32>
        %parallel_loop3A_111 = arith.constant -1.000000e+00 : f32
        %parallel_loop3A_112 = vector.broadcast %parallel_loop3A_111 : f32 to vector<16xf32>
        %parallel_loop3A_113 = arith.addf %parallel_loop3A_110, %parallel_loop3A_112 : vector<16xf32>
        %parallel_loop3A_114 = arith.mulf %parallel_loop3A_113, %parallel_loop3A_61 : vector<16xf32>
        %parallel_loop3A_115 = arith.constant 0.000000e+00 : f32
        %parallel_loop3A_116 = vector.broadcast %parallel_loop3A_115 : f32 to vector<16xf32>
        %parallel_loop3A_117 = arith.addf %parallel_loop3A_114, %parallel_loop3A_116 : vector<16xf32>
        %parallel_loop3A_118 = arith.mulf %parallel_loop3A_117, %parallel_loop3A_61 : vector<16xf32>
        %parallel_loop3A_119 = arith.constant 0.666666686 : f32
        %parallel_loop3A_120 = vector.broadcast %parallel_loop3A_119 : f32 to vector<16xf32>
        %parallel_loop3A_121 = arith.addf %parallel_loop3A_118, %parallel_loop3A_120 : vector<16xf32>
        %parallel_loop3A_122 = arith.mulf %parallel_loop3A_121, %parallel_loop3A_107 : vector<16xf32>
        %parallel_loop3A_123 = arith.addf %parallel_loop3A_103, %parallel_loop3A_122 : vector<16xf32>
        %parallel_loop3A_124 = arith.constant 2 : i32
        %parallel_loop3A_125 = vector.broadcast %parallel_loop3A_124 : i32 to vector<16xi32>
        %parallel_loop3A_126 = arith.addi %parallel_loop3A_84, %parallel_loop3A_125 : vector<16xi32>
        %parallel_loop3A_127 = tpu.vector_load_idx %arg5[%parallel_loop3A_126] : memref<35840xf32, #tpu.memory_space<vmem>>[vector<16xi32>], vector<16xf32>,
        %parallel_loop3A_128 = arith.constant -5.000000e-01 : f32
        %parallel_loop3A_129 = vector.broadcast %parallel_loop3A_128 : f32 to vector<16xf32>
        %parallel_loop3A_130 = arith.mulf %parallel_loop3A_129, %parallel_loop3A_61 : vector<16xf32>
        %parallel_loop3A_131 = arith.constant 5.000000e-01 : f32
        %parallel_loop3A_132 = vector.broadcast %parallel_loop3A_131 : f32 to vector<16xf32>
        %parallel_loop3A_133 = arith.addf %parallel_loop3A_130, %parallel_loop3A_132 : vector<16xf32>
        %parallel_loop3A_134 = arith.mulf %parallel_loop3A_133, %parallel_loop3A_61 : vector<16xf32>
        %parallel_loop3A_135 = arith.constant 5.000000e-01 : f32
        %parallel_loop3A_136 = vector.broadcast %parallel_loop3A_135 : f32 to vector<16xf32>
        %parallel_loop3A_137 = arith.addf %parallel_loop3A_134, %parallel_loop3A_136 : vector<16xf32>
        %parallel_loop3A_138 = arith.mulf %parallel_loop3A_137, %parallel_loop3A_61 : vector<16xf32>
        %parallel_loop3A_139 = arith.constant 0.166666672 : f32
        %parallel_loop3A_140 = vector.broadcast %parallel_loop3A_139 : f32 to vector<16xf32>
        %parallel_loop3A_141 = arith.addf %parallel_loop3A_138, %parallel_loop3A_140 : vector<16xf32>
        %parallel_loop3A_142 = arith.mulf %parallel_loop3A_141, %parallel_loop3A_127 : vector<16xf32>
        %parallel_loop3A_143 = arith.addf %parallel_loop3A_123, %parallel_loop3A_142 : vector<16xf32>
        %parallel_loop3A_144 = arith.constant 3 : i32
        %parallel_loop3A_145 = vector.broadcast %parallel_loop3A_144 : i32 to vector<16xi32>
        %parallel_loop3A_146 = arith.addi %parallel_loop3A_84, %parallel_loop3A_145 : vector<16xi32>
        %parallel_loop3A_147 = tpu.vector_load_idx %arg5[%parallel_loop3A_146] : memref<35840xf32, #tpu.memory_space<vmem>>[vector<16xi32>], vector<16xf32>,
        %parallel_loop3A_148 = arith.constant 0.166666672 : f32
        %parallel_loop3A_149 = vector.broadcast %parallel_loop3A_148 : f32 to vector<16xf32>
        %parallel_loop3A_150 = arith.mulf %parallel_loop3A_149, %parallel_loop3A_61 : vector<16xf32>
        %parallel_loop3A_151 = arith.constant 0.000000e+00 : f32
        %parallel_loop3A_152 = vector.broadcast %parallel_loop3A_151 : f32 to vector<16xf32>
        %parallel_loop3A_153 = arith.addf %parallel_loop3A_150, %parallel_loop3A_152 : vector<16xf32>
        %parallel_loop3A_154 = arith.mulf %parallel_loop3A_153, %parallel_loop3A_61 : vector<16xf32>
        %parallel_loop3A_155 = arith.constant 0.000000e+00 : f32
        %parallel_loop3A_156 = vector.broadcast %parallel_loop3A_155 : f32 to vector<16xf32>
        %parallel_loop3A_157 = arith.addf %parallel_loop3A_154, %parallel_loop3A_156 : vector<16xf32>
        %parallel_loop3A_158 = arith.mulf %parallel_loop3A_157, %parallel_loop3A_61 : vector<16xf32>
        %parallel_loop3A_159 = arith.constant 0.000000e+00 : f32
        %parallel_loop3A_160 = vector.broadcast %parallel_loop3A_159 : f32 to vector<16xf32>
        %parallel_loop3A_161 = arith.addf %parallel_loop3A_158, %parallel_loop3A_160 : vector<16xf32>
        %parallel_loop3A_162 = arith.mulf %parallel_loop3A_161, %parallel_loop3A_147 : vector<16xf32>
        %parallel_loop3A_163 = arith.addf %parallel_loop3A_143, %parallel_loop3A_162 : vector<16xf32>
        %parallel_loop3A_164 = arith.index_cast %parallel_loop3A_16 : i32 to index
        %parallel_loop3A_165 = tpu.vector_load %arg7[%parallel_loop3A_164] {strides = array<i32>} : memref<16384xf32, #tpu.memory_space<vmem>>, vector<16xf32>,
        tpu.vector_store %arg7[%parallel_loop3A_164], %parallel_loop3A_163 {strides = array<i32>} : memref<16384xf32, #tpu.memory_space<vmem>>, vector<16xf32>,
      } {sc.loop_unroll_factor = 8 : i64, sc.parallel_access}
      "tpu.region"() ({
        %run_scoped3A = tpu.sem_alloc : memref<!tpu.dma_semaphore, #tpu.memory_space<semaphore_mem>>
        %dma_start3A = tpu.memref_slice %arg4[%add3A_13] : memref<8388608xf32, #tpu.memory_space<hbm>> -> memref<16384xf32, #tpu.memory_space<hbm>>
        %dma_start3A_16 = tpu.memref_slice %arg4[%add3A_13] : memref<8388608xf32, #tpu.memory_space<hbm>> -> memref<16384xf32, #tpu.memory_space<hbm>>
        tpu.enqueue_dma source(%arg7 : memref<16384xf32, #tpu.memory_space<vmem>>) target(%dma_start3A_16 : memref<16384xf32, #tpu.memory_space<hbm>>) target_semaphore(%run_scoped3A : memref<!tpu.dma_semaphore, #tpu.memory_space<semaphore_mem>>)
        %dma_wait3A = tpu.memref_slice %arg4[%add3A_13] : memref<8388608xf32, #tpu.memory_space<hbm>> -> memref<16384xf32, #tpu.memory_space<hbm>>
        %dma_wait3A_17 = tpu.memref_slice %arg4[%add3A_13] : memref<8388608xf32, #tpu.memory_space<hbm>> -> memref<16384xf32, #tpu.memory_space<hbm>>
        tpu.wait_dma2 semaphore(%run_scoped3A : memref<!tpu.dma_semaphore, #tpu.memory_space<semaphore_mem>>) src(%arg7 : memref<16384xf32, #tpu.memory_space<vmem>>) dst(%dma_wait3A_17 : memref<16384xf32, #tpu.memory_space<hbm>>)
        tpu.yield
      }) : () -> ()
    }
    %scan3A_9 = arith.constant 16 : i32
    return
  }
}

</mosaic_0001>

<sc_bundles>
// kernel: kernel.3.cloned.1.call-start
scs
__scs_entry_jumppad:
0x0: {  	(pc) =	sbr.rel $0x88, $3  }
0x1: {  	(tag) =	ssettag $0x0;
	lr =	simm.s32 $0x1  }
0x2: {  	[smem:$0x3F9F] =	sst lr;
	_ =	strace $0xD0000000  }
0x3: {  	_ = 	snop  }
0x4: {  	_ = 	snop  }
0x5: {  	_ = 	snop  }
0x6: {  	_ = 	snop  }
0x7: {  	_ = 	snop  }
__scs_overlays_trampoline_lowered:
0x8: {  	[smem:$0x3FAE] =	sst s0  }
0x9: {  	[smem:$0x3FAF] =	sst s1  }
0xa: {  	[smem:$0x3FB0] =	sst s2  }
0xb: {  	[smem:$0x3FB1] =	sst s3  }
0xc: {  	[smem:$0x3FB2] =	sst s4  }
0xd: {  	[smem:$0x3FB3] =	sst s5  }
0xe: {  	[smem:$0x3FB4] =	sst s6  }
0xf: {  	[smem:$0x3FB5] =	sst s7  }
0x10: {  	[smem:$0x3FB6] =	sst s8  }
0x11: {  	[smem:$0x3FB7] =	sst s9;
	s0 =	simm.s32 @!p0 $0x0  }
0x12: {  	s1 =	sld [smem:$0x3F9D];
	s0 =	simm.s32 @p0 $0x1  }
0x13: {  	[smem:$0x3FB8] =	sst s0;
	s0 =	simm.s32 @!p1 $0x0  }
0x14: {  	s2 =	sld [smem:$0x3F9C];
	s0 =	simm.s32 @p1 $0x1  }
0x15: {  	[smem:$0x3FB9] =	sst s0;
	s0 =	simm.s32 @!p2 $0x0  }
0x16: {  	s3 =	sld [smem:$0x3FDB];
	s0 =	simm.s32 @p2 $0x1  }
0x17: {  	s4 =	simm.s32 $0x1BF5;
	[smem:$0x3FBB] =	sst s0  }
0x18: {  	s0 =	sld [smem:$0x3F9E];
	_ =	swait.ge [sflag:s4], $0x0  }
0x19: {  	s7 =	sld [smem:$0x3F9F]  }
0x1a: {  	s8 =	sadd.s32 $0xFFFFE003, lr  }
0x1b: {  	s9 =	sadd.s32 $0xFFFFFEF7, lr;
	s5 =	simm.s32 $0xFFFFFFFF;
	p2 =	slt.u32 s8, $0xFFFFF086  }
0x1c: {  	p1 =	slt.u32 s9, $0xF7A;
	s5 =	simm.s32 @!p2 $0x0  }
0x1d: {  	s5 =	simm.s32 @p1 $0x1;
	p0 =	seq.s32 s7, s2  }
0x1e: {  	s7 =	smul.u32 @!p0 $0xF7A, s2;
	p2 =	seq.s32 @!p0 s5, $0x0  }
0x1f: {  	s9 =	smul.u32 $0xF7A, s1;
	s8 =	simm.s32 @!p0 $0x1BF5;
	p2 =	por !p2, p0  }
0x20: {  	[sflag:s8] =	ssyncset.s32 @!p0 $0xFFFFF086;
	s6 =	sadd.s32 @!p0 s3, s7;
	s7 =	simm.s32 @!p0 $0x108  }
0x21: {  	s3 =	sadd.s32 s3, s9;
	s6 =	sadd.s32 @!p0 $0x88, s6;
	s7 =	simm.s32 @p2 $0x1082  }
0x22: {  	[simem:s7], [sflag:s8] =	dma.local @!p0 [hbm:s6], $0xF7A  }
0x23: {  	s9 =	sor.u32 $0xD0000000, s2;
	s6 =	simm.s32 $0x108;
	_ =	swait.ge @!p0 [sflag:s8], $0x0  }
0x24: {  	s3 =	sadd.s32 $0x88, s3;
	s6 =	simm.s32 @!p1 $0x1082;
	[sflag:s4] =	ssyncset.s32 $0xFFFFF086  }
0x25: {  	[simem:s6], [sflag:s4] =	dma.local [hbm:s3], $0xF7A  }
0x26: {  	[smem:$0x3F9F] =	sst s1;
	(tag) =	ssettag s2;
	_ =	strace s9  }
0x27: {  	s1 =	sld [smem:$0x3FAF]  }
0x28: {  	s2 =	sld [smem:$0x3FB0]  }
0x29: {  	s4 =	sld [smem:$0x3FB2]  }
0x2a: {  	p0 =	seq.s32 s5, $0x0;
	s5 =	sld [smem:$0x3FB3]  }
0x2b: {  	s6 =	sld [smem:$0x3FB4]  }
0x2c: {  	s7 =	sld [smem:$0x3FB5]  }
0x2d: {  	s3 =	simm.s32 $0x108;
	s8 =	sld [smem:$0x3FB6]  }
0x2e: {  	s3 =	simm.s32 @!p0 $0x1082;
	s9 =	sld [smem:$0x3FB7]  }
0x2f: {  	lr =	sadd.s32 s0, s3;
	s0 =	sld [smem:$0x3FAE]  }
0x30: {  	s3 =	sld [smem:$0x3FB1]  }
0x31: {  	[smem:$0x3FBA] =	sst s10  }
0x32: {  	s10 =	sld [smem:$0x3FB8];
	_ =	sdelay $0x3  }
0x33: {  	p0 =	seq.s32 s10, $0x1;
	s10 =	sld [smem:$0x3FBA];
	_ =	sdelay $0x3  }
0x34: {  	[smem:$0x3FBA] =	sst s10  }
0x35: {  	s10 =	sld [smem:$0x3FB9];
	_ =	sdelay $0x3  }
0x36: {  	p1 =	seq.s32 s10, $0x1;
	s10 =	sld [smem:$0x3FBA];
	_ =	sdelay $0x3  }
0x37: {  	[smem:$0x3FBA] =	sst s10  }
0x38: {  	s10 =	sld [smem:$0x3FBB]  }
0x39: {  	_ = 	snop;
	(pc) =	sbr.ind lr, $3  }
0x3a: {  	_ = 	snop  }
0x3b: {  	_ = 	snop  }
0x3c: {  	p2 =	seq.s32 s10, $0x1;
	s10 =	sld [smem:$0x3FBA]  }
0x3d: {  	_ =	shalt  }
0x3e: {  	_ =	shalt  }
0x3f: {  	_ =	shalt  }
0x40: {  	_ =	shalt  }
0x41: {  	_ =	shalt  }
0x42: {  	_ =	shalt  }
0x43: {  	_ =	shalt  }
0x44: {  	_ =	shalt  }
0x45: {  	_ =	shalt  }
0x46: {  	_ =	shalt  }
0x47: {  	_ =	shalt  }
0x48: {  	_ =	shalt  }
0x49: {  	_ =	shalt  }
0x4a: {  	_ =	shalt  }
0x4b: {  	_ =	shalt  }
0x4c: {  	_ =	shalt  }
0x4d: {  	_ =	shalt  }
0x4e: {  	_ =	shalt  }
0x4f: {  	_ =	shalt  }
0x50: {  	_ =	shalt  }
0x51: {  	_ =	shalt  }
0x52: {  	_ =	shalt  }
0x53: {  	_ =	shalt  }
0x54: {  	_ =	shalt  }
0x55: {  	_ =	shalt  }
0x56: {  	_ =	shalt  }
0x57: {  	_ =	shalt  }
0x58: {  	_ =	shalt  }
0x59: {  	_ =	shalt  }
0x5a: {  	_ =	shalt  }
0x5b: {  	_ =	shalt  }
0x5c: {  	_ =	shalt  }
0x5d: {  	_ =	shalt  }
0x5e: {  	_ =	shalt  }
0x5f: {  	_ =	shalt  }
0x60: {  	_ =	shalt  }
0x61: {  	_ =	shalt  }
0x62: {  	_ =	shalt  }
0x63: {  	_ =	shalt  }
0x64: {  	_ =	shalt  }
0x65: {  	_ =	shalt  }
0x66: {  	_ =	shalt  }
0x67: {  	_ =	shalt  }
0x68: {  	_ =	shalt  }
0x69: {  	_ =	shalt  }
0x6a: {  	_ =	shalt  }
0x6b: {  	_ =	shalt  }
0x6c: {  	_ =	shalt  }
0x6d: {  	_ =	shalt  }
0x6e: {  	_ =	shalt  }
0x6f: {  	_ =	shalt  }
0x70: {  	_ =	shalt  }
0x71: {  	_ =	shalt  }
0x72: {  	_ =	shalt  }
0x73: {  	_ =	shalt  }
0x74: {  	_ =	shalt  }
0x75: {  	_ =	shalt  }
0x76: {  	_ =	shalt  }
0x77: {  	_ =	shalt  }
0x78: {  	_ =	shalt  }
0x79: {  	_ =	shalt  }
0x7a: {  	_ =	shalt  }
0x7b: {  	_ =	shalt  }
0x7c: {  	_ =	shalt  }
0x7d: {  	_ =	shalt  }
0x7e: {  	_ =	shalt  }
0x7f: {  	_ =	shalt  }
0x80: {  	_ =	shalt  }
0x81: {  	_ =	shalt  }
0x82: {  	_ =	shalt  }
0x83: {  	_ =	shalt  }
0x84: {  	_ =	shalt  }
0x85: {  	_ =	shalt  }
0x86: {  	_ =	shalt  }
0x87: {  	_ =	shalt  }
.Lfunc_end0:
.L_simem_size_0:
called_computation.1_lowered:
.L_overlay_start_0:
0x88: {  	s2 =	sld [smem:$0x3FD9]  }
0x89: {  	s3 =	sld [smem:$0x3FFE];
	_ =	sdelay $0x1  }
0x8a: {  	s1 =	srdreg.scid  }
0x8b: {  	s0 =	sand.u32 $0x1, s1  }
0x8c: {  	s17 =	sshll.u32 s0, $0xA;
	s2 =	sadd.s32 s3, s2  }
0x8d: {  	s2 =	sadd.s32 s2, s17  }
0x8e: {  	[smem:$0x3FC6] =	sst s2  }
0x8f: {  	_ = 	snop  }
0x90: {  	s2 =	sld [smem:$0x3FD0];
	(tm) =	ssettm $0x1  }
0x91: {  	s18 =	sld [smem:$0x3FFB];
	_ =	sdelay $0x3  }
0x92: {  	_ =	strace s18  }
0x93: {  	s3 =	sld [smem:$0x3FFC];
	_ =	sdelay $0x3  }
0x94: {  	_ =	strace s3  }
0x95: {  	s3 =	sld [smem:$0x3FFD];
	_ =	sdelay $0x3  }
0x96: {  	_ =	strace s3  }
0x97: {  	_ =	strace $0x8FFFFFFF  }
0x98: {  	s19 =	sld [smem:$0x3FDB];
	_ =	sdelay $0x1  }
0x99: {  	s4 =	simm.s32 $_scs_section_size  }
0x9a: {  	s5 =	simm.s32 $_size__tile_overlayer_lowered;
	s6 =	simm.s32 $_tile_overlayer_lowered  }
0x9b: {  	s22 =	simm.s32 $0x1BFF;
	s21 =	sshll.u32 s6, $0x1;
	s3 =	sadd.s32 s4, s19  }
0x9c: {  	s7 =	simm.s32 $0x0;
	s20 =	sshll.u32 s5, $0x1;
	s5 =	sadd.s32 s21, s3  }
0x9d: {  	[timem:s7], [sflag:s22] =	dma.local [hbm:s5], s20  }
0x9e: {  	_ =	swait.ge [sflag:s22], s20  }
0x9f: {  	s4 =	ssub.s32 $0x0, s20;
	[sflag:s22] =	ssyncset.done $0x0  }
0xa0: {  	[sflag:s22] =	ssyncadd.s32 s4;
	_ =	sdelay $0x1  }
0xa1: {  	s23 =	simm.s32 $0x1B8B  }
0xa2: {  	_ =	swait.ge [sflag:s23], $0x1  }
0xa3: {  	[sflag:s23] =	ssyncset.done $0x0  }
0xa4: {  	s25 =	simm.s32 $0x1B8E;
	s24 =	sld [smem:$0x3FFE];
	[sflag:s23] =	ssyncadd.s32 $0xFFFFFFFF  }
0xa5: {  	s26 =	simm.s32 $execute0_lowered;
	[smem:$0x3FD2] =	sst s25  }
0xa6: {  	s5 =	sshll.u32 s26, $0x1;
	_ =	strace $0x80000049;
	[dreg:$0x1] =	wrdreg $0xFFFFFFFF  }
0xa7: {  	s28 =	simm.s32 $_size_execute0_lowered;
	s3 =	sadd.s32 s3, s5;
	[dreg:$0x0] =	wrdreg $0x0  }
0xa8: {  	s5 =	sshll.u32 s28, $0x1;
	[dreg:$0x2] =	wrdreg s3  }
0xa9: {  	[dreg:$0x3] =	wrdreg s5  }
0xaa: {  	[dreg:$0x4] =	wrdreg $0xC0  }
0xab: {  	_ =	task [dreg:s7], $0x5FFFF  }
0xac: {  	[dreg:$0x1] =	wrdreg $0xFFFFFFFF  }
0xad: {  	[dreg:$0x0] =	wrdreg $0x60  }
0xae: {  	[dreg:$0x2] =	wrdreg s2  }
0xaf: {  	[dreg:$0x3] =	wrdreg s24  }
0xb0: {  	[dreg:$0x4] =	wrdreg $0x9  }
0xb1: {  	_ =	task.clear_ibuf [dreg:s7], $0x5FFFF;
	_ =	strace $0x90000049  }
0xb2: {  	s29 =	simm.s32 $0x9;
	_ =	strace $0x8000004B  }
0xb3: {  	_ =	swait.ge [sflag:s29], $0x1  }
0xb4: {  	[sflag:s29] =	ssyncadd.s32 $0xFFFFFFFF  }
0xb5: {  	_ =	strace $0x9000004B  }
0xb6: {  	_ =	sfence  }
0xb7: {  	s30 =	sld [smem:$0x0];
	_ =	sdelay $0x2  }
0xb8: {  	s31 =	sshll.u32 s1, $0xD;
	s1 =	sshrl.u32 s1, $0x2  }
0xb9: {  	s3 =	sand.u32 $0x4000, s31;
	s1 =	sadd.s32 s1, s30  }
0xba: {  	s0 =	sor.u32 s3, s0;
	s1 =	sshll.u32 s1, $0x11  }
0xbb: {  	s0 =	sor.u32 s1, s0  }
0xbc: {  	s0 =	sadd.s32 $0x8F2B, s0  }
0xbd: {  	[sflag:s0] =	ssyncadd.remote.s32 $0x1  }
0xbe: {  	_ =	sfence.sel $0xFFFF  }
0xbf: {  	[dreg:$0x0] =	wrdreg $0xFFFFFFFF;
	(pc) =	sbr.abs _section_cstart, $3  }
0xc0: {  	[dreg:$0x1] =	wrdreg $0xFFFFFFFF  }
0xc1: {  	_ =	task.clear_ibuf [dreg:s7], $0x2FFFF;
	_ =	strace $0x9FFFFFFF  }
0xc2: {  	(tm) =	ssettm $0x7FFFFFFF  }
0xc3: {  	_ =	shalt  }
tec
execute0_lowered:
.L_overlay_start_1:
0x0: {  	(tag) =	ssettag $0x1  }
0x1: {  	s1 =	rddreg [dreg:$0x0]  }
0x2: {  	s3 =	rddreg [dreg:$0x1];
	s2 =	simm.s32 $0x0  }
0x3: {  	[smem:$0x7FF] =	sst s2  }
0x4: {  	s0 =	rddreg [dreg:$0x2];
	v0 =	vimm.f32 $8.378388880e-01;
	_ =	strace $0x8000004A  }
0x5: {  	(erf) = vrcp.f32 v0;
	_ =	sdelay $0x4  }
0x6: {  	s4 =	srdreg.scid;
	v63 =	vlaneseq.u32  }
0x7: {  	s9 =	simm.s32 $0x8C00;
	s10 =	simm.s32 $0xCC00;
	s6 =	sand.u32 $0x1, s4;
	v58 =	vmul.u32 $0x23, v63  }
0x8: {  	s11 =	simm.s32 $0x0;
	s4 =	sadd.s32 $0xA00, s3;
	s7 =	ssub.s32 $0x2, s6  }
0x9: {  	s5 =	sadd.s32 $0x1C00, s3;
	s3 =	stileid.u32;
	s8 =	sshrl.u32 s7, $0x1;
	v59 =	vadd.s32 $0x1, v58;
	[tilespmem:$0x1FFF0] =	vst v58  }
0xa: {  	s31 =	sshll.u32 s3, $0x10;
	s6 =	sshll.u32 s6, $0xF;
	s7 =	ssub.s32 s7, s8;
	[tilespmem:$0x1FFE0] =	vst v59;
	v62 =	vpop (erf)  }
0xb: {  	s6 =	sor.u32 s6, s31;
	v57 =	vadd.s32 $0x3, v58;
	v60 =	vadd.s32 $0x2, v58;
	s8 =	simm.s32 $0x1;
	s7 =	smax.u32 s7, $0x1;
	[tilespmem:$0x1FFD0] =	vst v62  }
.LBB2_1:
0xc: {  	[tilespmem:s2], [sflag:$0x1] =	stream.linear.gather [hbm4b:s4+s2], $0x8C00, $0x38;
	[tilespmem:$0x10C00] =	vst v63  }
0xd: {  	_ =	swait.ge [sflag:s8], $0x8C00  }
0xe: {  	[sflag:s8] =	ssyncset.done $0x0  }
0xf: {  	s12 =	simm.s32 $0x0;
	[sflag:s8] =	ssyncadd.s32 $0xFFFF7400  }
.LBB2_2:
0x10: {  	s13 =	sshll.u32 s12, $0xB  }
0x11: {  	s13 =	sadd.s32 s6, s13  }
0x12: {  	s14 =	sadd.s32 s1, s13  }
0x13: {  	[tilespmem:s9], [sflag:$0x1] =	stream.linear.gather [hbm4b:s14+s2], $0x4000, $0x38;
	[tilespmem:$0x10C00] =	vst v63  }
0x14: {  	_ =	swait.ge [sflag:s8], $0x4000  }
0x15: {  	[sflag:s8] =	ssyncset.done $0x0  }
0x16: {  	s25 =	simm.s32 $0x8C40;
	[sflag:s8] =	ssyncadd.s32 $0xFFFFC000  }
0x17: {  	v5 =	vld [tilespmem:s25+$0x30]  }
0x18: {  	v6 =	vld [tilespmem:s25+$0xFFFFFFC0];
	_ =	sdelay $0x1  }
0x19: {  	v7 =	vld [tilespmem:s25+$0xFFFFFFD0]  }
0x1a: {  	v8 =	vld [tilespmem:s25+$0xFFFFFFE0];
	_ =	sdelay $0x1  }
0x1b: {  	v9 =	vld [tilespmem:s25+$0xFFFFFFF0];
	v5 =	vmax.f32 v5, $8.108108490e-02;
	v6 =	vmax.f32 v6, $8.108108490e-02  }
0x1c: {  	v5 =	vmin.f32 v5, $9.189189670e-01;
	v18 =	vmin.f32 v6, $9.189189670e-01  }
0x1d: {  	v10 =	vld [tilespmem:s25+$0x0];
	v6 =	vmax.f32 v7, $8.108108490e-02;
	v12 =	vmul.f32 $3.700000000e+01, v5;
	v13 =	vmul.f32 $3.700000000e+01, v18  }
0x1e: {  	v11 =	vld [tilespmem:s25+$0x10];
	v21 =	vmin.f32 v6, $9.189189670e-01;
	v6 =	vmax.f32 v8, $8.108108490e-02;
	vm11 =	vge.f32 v5, $9.189189670e-01  }
0x1f: {  	vm1 =	vle.f32 v5, $8.108108490e-02;
	v17 =	vadd.f32 $-8.108108490e-02, v18;
	v22 =	vmin.f32 v6, $9.189189670e-01  }
0x20: {  	v6 =	vmax.f32 v9, $8.108108490e-02;
	v9 =	vmul.f32 $3.700000000e+01, v21;
	v19 =	vadd.f32 $-8.108108490e-02, v21  }
0x21: {  	v7 =	vld [tilespmem:s25+$0x20];
	vm10 =	vle.f32 v21, $8.108108490e-02;
	v8 =	vtrunc.f32 v12;
	v24 =	vmin.f32 v6, $9.189189670e-01  }
0x22: {  	v6 =	vmax.f32 v10, $8.108108490e-02;
	v13 =	vtrunc.f32 v13;
	v27 =	vadd.f32 $-8.108108490e-02, v22  }
0x23: {  	vm2 =	vge.f32 v22, $9.189189670e-01;
	v8 =	vcvt.f32.s32 v8;
	v28 =	vmin.f32 v6, $9.189189670e-01  }
0x24: {  	v6 =	vmax.f32 v11, $8.108108490e-02;
	v10 =	vmul.f32 $3.700000000e+01, v24;
	v30 =	vadd.f32 $-8.108108490e-02, v24  }
0x25: {  	v9 =	vtrunc.f32 v9;
	v13 =	vcvt.f32.s32 v13;
	vm12 =	vge.f32 v24, $9.189189670e-01  }
0x26: {  	v26 =	vmin.f32 v6, $9.189189670e-01;
	v6 =	vmax.f32 v7, $8.108108490e-02;
	v11 =	vmul.f32 $3.700000000e+01, v28  }
0x27: {  	v32 =	vadd.f32 $-8.108108490e-02, v28;
	v9 =	vcvt.f32.s32 v9;
	vm13 =	vge.f32 v28, $9.189189670e-01  }
0x28: {  	v7 =	vadd.s32 $0x1, v8;
	v29 =	vmin.f32 v6, $9.189189670e-01;
	v6 =	vadd.f32 $-8.108108490e-02, v5  }
0x29: {  	v8 =	vmul.f32 $3.700000000e+01, v22;
	v33 =	vadd.f32 $-8.108108490e-02, v26;
	v10 =	vtrunc.f32 v10  }
0x2a: {  	vm14 =	vge.f32 v26, $9.189189670e-01;
	vm0 =	vgt.s32 v7, $0x4;
	v12 =	vmul.f32 $3.700000000e+01, v29  }
0x2b: {  	v34 =	vadd.f32 $-8.108108490e-02, v29;
	v11 =	vtrunc.f32 v11;
	v10 =	vcvt.f32.s32 v10  }
0x2c: {  	vm15 =	vge.f32 v29, $9.189189670e-01;
	v7 =	vnsel vm0, $0x4, v7;
	v6 =	vmul.f32 v6, v62  }
0x2d: {  	v8 =	vtrunc.f32 v8;
	vm0 =	vge.f32 v18, $9.189189670e-01;
	v11 =	vcvt.f32.s32 v11  }
0x2e: {  	s14 =	simm.s32 $0x0;
	v7 =	vmin.u32 v7, $0x22;
	v12 =	vtrunc.f32 v12;
	v8 =	vcvt.f32.s32 v8  }
0x2f: {  	s15 =	sand.u32 $0x380, s14;
	v1 =	vadd.s32 $0x1, v10;
	v5 =	vsel vm11, $0x22, v7;
	v7 =	vmul.f32 $3.700000000e+01, v26  }
0x30: {  	s15 =	smul.u32 $0x23, s15;
	v6 =	vmax.f32 v6, $0.0e+00;
	v12 =	vcvt.f32.s32 v12;
	v35 =	vadd.s32 $0x1, v11  }
0x31: {  	vm6 =	vgt.s32 v1, $0x4;
	vm11 =	vle.f32 v22, $8.108108490e-02;
	v5 =	vsel vm1, $0x3, v5  }
0x32: {  	s16 =	sadd.s32 $0xF4D, s15;
	v6 =	vmin.f32 v6, $1.000000000e+00;
	vm1 =	vge.f32 v21, $9.189189670e-01;
	vm7 =	vgt.s32 v35, $0x4  }
0x33: {  	v5 =	vadd.s32 s16, v5;
	v15 =	vmul.f32 $1.666666720e-01, v6;
	v16 =	vmul.f32 $5.000000000e-01, v6  }
0x34: {  	v7 =	vtrunc.f32 v7;
	v37 =	vadd.s32 $0x1, v12;
	v35 =	vnsel vm7, $0x4, v35  }
0x35: {  	v14 =	vadd.s32 v58, v5;
	v20 =	vadd.s32 v59, v5;
	v31 =	vadd.s32 v60, v5  }
0x36: {  	v5 =	vadd.s32 v57, v5;
	v7 =	vcvt.f32.s32 v7;
	vm9 =	vgt.s32 v37, $0x4  }
0x37: {  	v35 =	vmin.u32 v35, $0x22;
	v23 =	vsub.f32 $5.000000000e-01, v15;
	v25 =	vadd.f32 $-1.000000000e+00, v16  }
0x38: {  	v16 =	vsub.f32 $5.000000000e-01, v16;
	v15 =	vadd.f32 $0.0e+00, v15;
	v37 =	vnsel vm9, $0x4, v37  }
0x39: {  	v35 =	vsel vm13, $0x22, v35;
	vm9 =	vle.f32 v18, $8.108108490e-02;
	vm13 =	vle.f32 v28, $8.108108490e-02  }
0x3a: {  	v36 =	vadd.s32 $0x1, v7;
	v23 =	vmul.f32 v23, v6;
	v25 =	vmul.f32 v25, v6  }
0x3b: {  	v37 =	vmin.u32 v37, $0x22;
	v16 =	vmul.f32 v16, v6;
	v15 =	vmul.f32 v15, v6  }
0x3c: {  	v28 =	vsel vm13, $0x3, v35;
	v14 =	vld.idx.msk [tilespmem:v14+s2+$0x0], $0xffff;
	v23 =	vadd.f32 $-5.000000000e-01, v23;
	v25 =	vadd.f32 $0.0e+00, v25  }
0x3d: {  	vm8 =	vgt.s32 v36, $0x4;
	v20 =	vld.idx.msk [tilespmem:v20+s2+$0x0], $0xffff;
	v16 =	vadd.f32 $5.000000000e-01, v16;
	v15 =	vadd.f32 $0.0e+00, v15  }
0x3e: {  	v21 =	vsel vm15, $0x22, v37;
	v5 =	vld.idx.msk [tilespmem:v5+s2+$0x0], $0xffff;
	v23 =	vmul.f32 v23, v6;
	v25 =	vmul.f32 v25, v6  }
0x3f: {  	vm15 =	vle.f32 v29, $8.108108490e-02;
	v16 =	vmul.f32 v16, v6;
	v6 =	vmul.f32 v15, v6  }
0x40: {  	v36 =	vnsel vm8, $0x4, v36;
	v37 =	vsel vm15, $0x3, v21;
	v31 =	vld.idx.msk [tilespmem:v31+s2+$0x0], $0xffff;
	v23 =	vadd.f32 $1.666666720e-01, v23  }
0x41: {  	v36 =	vmin.u32 v36, $0x22;
	v25 =	vadd.f32 $6.666666860e-01, v25;
	v6 =	vadd.f32 $0.0e+00, v6  }
0x42: {  	v36 =	vsel vm14, $0x22, v36;
	vm14 =	vle.f32 v26, $8.108108490e-02;
	v14 =	vmul.f32 v23, v14  }
0x43: {  	v16 =	vadd.f32 $1.666666720e-01, v16;
	v15 =	vmul.f32 v25, v20;
	v5 =	vmul.f32 v6, v5  }
0x44: {  	v20 =	vmul.f32 v33, v62;
	v23 =	vadd.s32 $0x1, v13;
	v25 =	vadd.s32 $0x1, v9  }
0x45: {  	vm3 =	vgt.s32 v23, $0x4;
	v14 =	vadd.f32 v15, v14;
	v15 =	vmul.f32 v16, v31  }
0x46: {  	vm4 =	vgt.s32 v25, $0x4;
	v16 =	vmul.f32 v17, v62;
	v17 =	vmul.f32 v19, v62  }
0x47: {  	v19 =	vmul.f32 v32, v62;
	v20 =	vmax.f32 v20, $0.0e+00;
	v38 =	vnsel vm3, $0x4, v23  }
0x48: {  	v39 =	vnsel vm4, $0x4, v25;
	v7 =	vmin.f32 v20, $1.000000000e+00;
	v38 =	vmin.u32 v38, $0x22  }
0x49: {  	v39 =	vmin.u32 v39, $0x22;
	v14 =	vadd.f32 v14, v15;
	v6 =	vmax.f32 v16, $0.0e+00  }
0x4a: {  	v15 =	vmul.f32 v27, v62;
	v16 =	vmul.f32 v30, v62;
	v19 =	vmax.f32 v19, $0.0e+00  }
0x4b: {  	v27 =	vadd.s32 $0x1, v8;
	v25 =	vmul.f32 $5.000000000e-01, v7;
	v38 =	vsel vm0, $0x22, v38  }
0x4c: {  	v39 =	vsel vm1, $0x22, v39;
	v13 =	vmin.f32 v6, $1.000000000e+00;
	v8 =	vmin.f32 v19, $1.000000000e+00  }
0x4d: {  	vm5 =	vgt.s32 v27, $0x4;
	v18 =	vsel vm9, $0x3, v38;
	v22 =	vsel vm10, $0x3, v39  }
0x4e: {  	v5 =	vadd.f32 v14, v5;
	v14 =	vmax.f32 v17, $0.0e+00;
	v17 =	vmul.f32 v34, v62  }
0x4f: {  	v15 =	vmax.f32 v15, $0.0e+00;
	v16 =	vmax.f32 v16, $0.0e+00;
	v31 =	vmul.f32 $1.666666720e-01, v13  }
0x50: {  	s26 =	sadd.s32 $0xFFFFFFFD, s15;
	v32 =	vmul.f32 $5.000000000e-01, v13;
	v40 =	vnsel vm5, $0x4, v27;
	v34 =	vnsel vm6, $0x4, v1  }
0x51: {  	s28 =	sadd.s32 $0x22D, s15;
	v23 =	vmul.f32 $5.000000000e-01, v8;
	v52 =	vadd.f32 $-1.000000000e+00, v25;
	v18 =	vadd.s32 s26, v18  }
0x52: {  	v21 =	vadd.s32 s28, v22;
	v11 =	vmin.f32 v14, $1.000000000e+00;
	v10 =	vmin.f32 v15, $1.000000000e+00  }
0x53: {  	v9 =	vmin.f32 v16, $1.000000000e+00;
	v16 =	vmul.f32 $1.666666720e-01, v8;
	v14 =	vmul.f32 $1.666666720e-01, v7  }
0x54: {  	v40 =	vmin.u32 v40, $0x22;
	v34 =	vmin.u32 v34, $0x22;
	v29 =	vadd.s32 v58, v18  }
0x55: {  	v56 =	vadd.s32 v59, v18;
	v1 =	vadd.s32 v58, v21;
	v61 =	vadd.s32 v59, v21  }
0x56: {  	v18 =	vadd.s32 v57, v18;
	v30 =	vmul.f32 $1.666666720e-01, v11;
	v33 =	vmul.f32 $5.000000000e-01, v11  }
0x57: {  	v17 =	vmax.f32 v17, $0.0e+00;
	v19 =	vmul.f32 $5.000000000e-01, v10;
	v15 =	vmul.f32 $1.666666720e-01, v9  }
0x58: {  	v20 =	vmul.f32 $5.000000000e-01, v9;
	v41 =	vsub.f32 $5.000000000e-01, v31;
	v42 =	vadd.f32 $-1.000000000e+00, v32  }
0x59: {  	v50 =	vadd.f32 $-1.000000000e+00, v23;
	v40 =	vsel vm2, $0x22, v40;
	v34 =	vsel vm12, $0x22, v34  }
0x5a: {  	vm12 =	vle.f32 v24, $8.108108490e-02;
	v52 =	vmul.f32 v52, v7;
	v32 =	vsub.f32 $5.000000000e-01, v32  }
0x5b: {  	v31 =	vadd.f32 $0.0e+00, v31;
	v6 =	vmin.f32 v17, $1.000000000e+00;
	v17 =	vmul.f32 $1.666666720e-01, v10  }
0x5c: {  	v49 =	vsub.f32 $5.000000000e-01, v16;
	v51 =	vsub.f32 $5.000000000e-01, v14;
	v24 =	vsel vm11, $0x3, v40  }
0x5d: {  	v26 =	vsel vm12, $0x3, v34;
	v34 =	vsel vm14, $0x3, v36;
	v16 =	vadd.f32 $0.0e+00, v16  }
0x5e: {  	v14 =	vadd.f32 $0.0e+00, v14;
	v12 =	vmul.f32 $1.666666720e-01, v6;
	v43 =	vsub.f32 $5.000000000e-01, v30  }
0x5f: {  	v27 =	vmul.f32 $5.000000000e-01, v6;
	v44 =	vadd.f32 $-1.000000000e+00, v33;
	v46 =	vadd.f32 $-1.000000000e+00, v19  }
0x60: {  	s29 =	sadd.s32 $0x45D, s15;
	v47 =	vsub.f32 $5.000000000e-01, v15;
	v48 =	vadd.f32 $-1.000000000e+00, v20;
	v2 =	vmul.f32 v41, v13  }
0x61: {  	v55 =	vmul.f32 v42, v13;
	v24 =	vadd.s32 s29, v24;
	v33 =	vsub.f32 $5.000000000e-01, v33  }
0x62: {  	v32 =	vmul.f32 v32, v13;
	v30 =	vadd.f32 $0.0e+00, v30;
	v19 =	vsub.f32 $5.000000000e-01, v19  }
0x63: {  	v31 =	vmul.f32 v31, v13;
	v15 =	vadd.f32 $0.0e+00, v15;
	v45 =	vsub.f32 $5.000000000e-01, v17  }
0x64: {  	v0 =	vadd.s32 v58, v24;
	v14 =	vmul.f32 v14, v7;
	v38 =	vmul.f32 v43, v11  }
0x65: {  	v53 =	vsub.f32 $5.000000000e-01, v12;
	v39 =	vmul.f32 v44, v11;
	v41 =	vmul.f32 v46, v10  }
0x66: {  	v54 =	vadd.f32 $-1.000000000e+00, v27;
	v43 =	vmul.f32 v47, v9;
	v35 =	vmul.f32 v48, v9  }
0x67: {  	v22 =	vadd.f32 $-5.000000000e-01, v2;
	v44 =	vmul.f32 v49, v8;
	v47 =	vmul.f32 v50, v8  }
0x68: {  	v50 =	vmul.f32 v51, v7;
	v36 =	vadd.f32 $0.0e+00, v55;
	v55 =	vadd.s32 v59, v24  }
0x69: {  	v33 =	vmul.f32 v33, v11;
	v32 =	vadd.f32 $5.000000000e-01, v32;
	v30 =	vmul.f32 v30, v11  }
0x6a: {  	v31 =	vadd.f32 $0.0e+00, v31;
	v19 =	vmul.f32 v19, v10;
	v12 =	vadd.f32 $0.0e+00, v12  }
0x6b: {  	s17 =	sadd.s32 $0x68D, s15;
	v40 =	vmul.f32 v45, v10;
	v14 =	vadd.f32 $0.0e+00, v14;
	v63 =	vmul.f32 v22, v13  }
0x6c: {  	s30 =	sadd.s32 $0x8BD, s15;
	s31 =	sadd.s32 $0xAED, s15;
	v22 =	vadd.s32 s17, v26;
	v38 =	vadd.f32 $-5.000000000e-01, v38;
	v36 =	vmul.f32 v36, v13  }
0x6d: {  	v26 =	vadd.s32 s30, v28;
	v39 =	vadd.f32 $0.0e+00, v39;
	v28 =	vadd.s32 s31, v34  }
0x6e: {  	v43 =	vadd.f32 $-5.000000000e-01, v43;
	v35 =	vadd.f32 $0.0e+00, v35;
	v53 =	vmul.f32 v53, v6  }
0x6f: {  	v2 =	vld.idx.msk [tilespmem:v29+s2+$0x0], $0xffff;
	v54 =	vmul.f32 v54, v6;
	v33 =	vadd.f32 $5.000000000e-01, v33;
	v32 =	vmul.f32 v32, v13  }
0x70: {  	v48 =	vld.idx.msk [tilespmem:v61+s2+$0x0], $0xffff;
	v31 =	vmul.f32 v31, v13;
	v13 =	vadd.f32 $0.0e+00, v30;
	v19 =	vadd.f32 $5.000000000e-01, v19  }
0x71: {  	v45 =	vld.idx.msk [tilespmem:v1+s2+$0x0], $0xffff;
	v12 =	vmul.f32 v12, v6;
	v1 =	vadd.f32 $-5.000000000e-01, v40;
	v61 =	vadd.s32 v59, v22  }
0x72: {  	v49 =	vadd.f32 $1.666666720e-01, v63;
	v38 =	vmul.f32 v38, v11;
	v39 =	vmul.f32 v39, v11  }
0x73: {  	v42 =	vld.idx.msk [tilespmem:v56+s2+$0x0], $0xffff;
	v36 =	vadd.f32 $6.666666860e-01, v36;
	v43 =	vmul.f32 v43, v9;
	v35 =	vmul.f32 v35, v9  }
0x74: {  	v56 =	vld.idx.msk [tilespmem:v0+s2+$0x0], $0xffff;
	v0 =	vadd.s32 v58, v26;
	v33 =	vmul.f32 v33, v11;
	v19 =	vmul.f32 v19, v10  }
0x75: {  	v12 =	vadd.f32 $0.0e+00, v12;
	v34 =	vmul.f32 v1, v10;
	v1 =	vadd.s32 v59, v26  }
0x76: {  	v63 =	vld.idx.msk [tilespmem:v55+s2+$0x0], $0xffff;
	v55 =	vmul.f32 v14, v7;
	v46 =	vmul.f32 v49, v2;
	v2 =	vadd.f32 $0.0e+00, v41  }
0x77: {  	v49 =	vadd.s32 v58, v22;
	v38 =	vadd.f32 $1.666666720e-01, v38;
	v39 =	vadd.f32 $6.666666860e-01, v39  }
0x78: {  	v36 =	vmul.f32 v36, v42;
	v43 =	vadd.f32 $1.666666720e-01, v43;
	v35 =	vadd.f32 $6.666666860e-01, v35  }
0x79: {  	v34 =	vadd.f32 $1.666666720e-01, v34;
	v40 =	vmul.f32 v2, v10;
	v38 =	vmul.f32 v38, v45  }
0x7a: {  	v39 =	vmul.f32 v39, v48;
	v2 =	vadd.s32 v58, v28;
	v42 =	vld.idx.msk [tilespmem:v61+s2+$0x0], $0xffff;
	v61 =	vadd.f32 $-5.000000000e-01, v44  }
0x7b: {  	s15 =	sadd.s32 $0xD1D, s15;
	v41 =	vmul.f32 v34, v56;
	v56 =	vadd.s32 v59, v28;
	v45 =	vld.idx.msk [tilespmem:v0+s2+$0x0], $0xffff;
	v0 =	vadd.f32 $-5.000000000e-01, v50  }
0x7c: {  	v34 =	vadd.s32 s15, v37;
	v40 =	vadd.f32 $6.666666860e-01, v40;
	v48 =	vld.idx.msk [tilespmem:v1+s2+$0x0], $0xffff;
	v1 =	vadd.f32 $0.0e+00, v52  }
0x7d: {  	v37 =	vmul.f32 v61, v8;
	v52 =	vmul.f32 v13, v11;
	v11 =	vsub.f32 $5.000000000e-01, v20  }
0x7e: {  	v61 =	vadd.s32 v59, v34;
	v13 =	vadd.f32 $0.0e+00, v17;
	v17 =	vsub.f32 $5.000000000e-01, v23  }
0x7f: {  	v20 =	vsub.f32 $5.000000000e-01, v25;
	v23 =	vsub.f32 $5.000000000e-01, v27;
	v25 =	vadd.s32 $0x2, v29  }
0x80: {  	s15 =	simm.s32 $0xCC40;
	v29 =	vadd.s32 v60, v24;
	v14 =	vadd.s32 v60, v34;
	v24 =	vadd.s32 v57, v24  }
0x81: {  	[tilespmem:s15+$0x30] =	vst v5;
	v5 =	vadd.f32 $0.0e+00, v55;
	v40 =	vmul.f32 v40, v63;
	v63 =	vadd.f32 $0.0e+00, v47  }
0x82: {  	v47 =	vadd.s32 v58, v34;
	v50 =	vmul.f32 v1, v7;
	v11 =	vmul.f32 v11, v9  }
0x83: {  	v49 =	vld.idx.msk [tilespmem:v49+s2+$0x0], $0xffff;
	v37 =	vadd.f32 $1.666666720e-01, v37;
	v13 =	vmul.f32 v13, v10;
	v17 =	vmul.f32 v17, v8  }
0x84: {  	v1 =	vadd.f32 $-5.000000000e-01, v53;
	v20 =	vmul.f32 v20, v7;
	v23 =	vmul.f32 v23, v6  }
0x85: {  	v34 =	vadd.s32 v57, v34;
	v35 =	vmul.f32 v35, v42;
	v44 =	vmul.f32 v63, v8  }
0x86: {  	v37 =	vmul.f32 v37, v45;
	v63 =	vadd.f32 $6.666666860e-01, v50;
	v13 =	vadd.f32 $0.0e+00, v13  }
0x87: {  	v51 =	vld.idx.msk [tilespmem:v56+s2+$0x0], $0xffff;
	v11 =	vadd.f32 $5.000000000e-01, v11;
	v17 =	vadd.f32 $5.000000000e-01, v17;
	v56 =	vmul.f32 v12, v6  }
0x88: {  	v2 =	vld.idx.msk [tilespmem:v2+s2+$0x0], $0xffff;
	v23 =	vadd.f32 $5.000000000e-01, v23;
	v43 =	vmul.f32 v43, v49;
	v49 =	vmul.f32 v0, v7  }
0x89: {  	v44 =	vadd.f32 $6.666666860e-01, v44;
	v27 =	vmul.f32 v13, v10;
	v10 =	vadd.s32 v60, v21  }
0x8a: {  	v13 =	vmul.f32 v15, v9;
	v15 =	vmul.f32 v16, v8;
	v16 =	vadd.f32 v39, v38  }
0x8b: {  	v11 =	vmul.f32 v11, v9;
	v23 =	vmul.f32 v23, v6;
	v49 =	vadd.f32 $1.666666720e-01, v49  }
0x8c: {  	v21 =	vadd.s32 v57, v21;
	v44 =	vmul.f32 v44, v48;
	v13 =	vadd.f32 $0.0e+00, v13  }
0x8d: {  	v15 =	vadd.f32 $0.0e+00, v15;
	v11 =	vadd.f32 $1.666666720e-01, v11;
	v0 =	vmul.f32 v49, v2  }
0x8e: {  	v47 =	vld.idx.msk [tilespmem:v47+s2+$0x0], $0xffff;
	v2 =	vadd.f32 $0.0e+00, v54;
	v53 =	vmul.f32 v13, v9;
	v9 =	vadd.s32 v60, v22  }
0x8f: {  	v13 =	vmul.f32 v17, v8;
	v54 =	vmul.f32 v15, v8;
	v15 =	vadd.s32 v60, v26;
	v8 =	vld.idx.msk [tilespmem:v25+s2+$0x0], $0xffff  }
0x90: {  	v45 =	vmul.f32 v63, v51;
	v51 =	vadd.f32 v36, v46;
	v49 =	vmul.f32 v1, v6;
	v10 =	vld.idx.msk [tilespmem:v10+s2+$0x0], $0xffff  }
0x91: {  	v42 =	vld.idx.msk [tilespmem:v61+s2+$0x0], $0xffff;
	v17 =	vadd.f32 $5.000000000e-01, v20;
	v20 =	vadd.f32 v40, v41;
	v25 =	vadd.s32 v60, v28  }
0x92: {  	v12 =	vld.idx.msk [tilespmem:v29+s2+$0x0], $0xffff;
	v26 =	vadd.s32 v57, v26;
	v50 =	vmul.f32 v2, v6;
	v49 =	vadd.f32 $1.666666720e-01, v49  }
0x93: {  	v17 =	vmul.f32 v17, v7;
	v7 =	vadd.f32 $1.666666720e-01, v32;
	v6 =	vadd.f32 $1.666666720e-01, v33;
	v61 =	vld.idx.msk [tilespmem:v9+s2+$0x0], $0xffff  }
0x94: {  	v28 =	vadd.s32 v57, v28;
	v50 =	vadd.f32 $6.666666860e-01, v50;
	v47 =	vmul.f32 v49, v47;
	v15 =	vld.idx.msk [tilespmem:v15+s2+$0x0], $0xffff  }
0x95: {  	v18 =	vld.idx.msk [tilespmem:v18+s2+$0x0], $0xffff;
	v29 =	vmul.f32 v7, v8;
	v33 =	vmul.f32 v6, v10;
	v10 =	vadd.f32 $1.666666720e-01, v19  }
0x96: {  	v8 =	vadd.f32 v35, v43;
	v25 =	vld.idx.msk [tilespmem:v25+s2+$0x0], $0xffff;
	v42 =	vmul.f32 v50, v42;
	v19 =	vadd.s32 v57, v22  }
0x97: {  	v14 =	vld.idx.msk [tilespmem:v14+s2+$0x0], $0xffff;
	v9 =	vadd.f32 v44, v37;
	v22 =	vmul.f32 v10, v12;
	v12 =	vadd.f32 $1.666666720e-01, v13  }
0x98: {  	v63 =	vld.idx.msk [tilespmem:v24+s2+$0x0], $0xffff;
	v7 =	vadd.f32 v45, v0;
	v6 =	vadd.f32 v42, v47;
	v10 =	vmul.f32 v11, v61  }
0x99: {  	v21 =	vld.idx.msk [tilespmem:v21+s2+$0x0], $0xffff;
	v11 =	vadd.f32 $1.666666720e-01, v17;
	v13 =	vmul.f32 v12, v15;
	v12 =	vadd.f32 $1.666666720e-01, v23  }
0x9a: {  	v15 =	vadd.f32 v51, v29;
	v17 =	vadd.f32 $0.0e+00, v31  }
0x9b: {  	v23 =	vadd.f32 $0.0e+00, v27;
	v24 =	vld.idx.msk [tilespmem:v19+s2+$0x0], $0xffff;
	v19 =	vadd.f32 $0.0e+00, v52;
	v11 =	vmul.f32 v11, v25  }
0x9c: {  	v12 =	vmul.f32 v12, v14;
	v14 =	vadd.f32 v16, v33;
	v16 =	vadd.f32 v20, v22;
	v25 =	vld.idx.msk [tilespmem:v28+s2+$0x0], $0xffff  }
0x9d: {  	v27 =	vld.idx.msk [tilespmem:v34+s2+$0x0], $0xffff;
	v17 =	vmul.f32 v17, v18;
	v20 =	vadd.f32 $0.0e+00, v53;
	v22 =	vadd.f32 $0.0e+00, v54  }
0x9e: {  	s16 =	simm.s32 $0x8CC0;
	v26 =	vld.idx.msk [tilespmem:v26+s2+$0x0], $0xffff;
	v18 =	vmul.f32 v19, v21;
	v21 =	vmul.f32 v23, v63;
	v19 =	vadd.f32 $0.0e+00, v56  }
.LBB2_3:
0x9f: {  	v23 =	vld [tilespmem:s16+$0x30];
	v8 =	vadd.f32 v8, v10  }
0xa0: {  	v9 =	vadd.f32 v9, v13;
	v13 =	vld [tilespmem:s16+$0xFFFFFFC0];
	v7 =	vadd.f32 v7, v11  }
0xa1: {  	v6 =	vadd.f32 v6, v12;
	v11 =	vld [tilespmem:s16+$0xFFFFFFD0];
	v12 =	vadd.f32 v15, v17;
	v5 =	vmul.f32 v5, v25  }
0xa2: {  	v15 =	vmul.f32 v19, v27;
	v14 =	vadd.f32 v14, v18;
	v10 =	vmul.f32 v20, v24  }
0xa3: {  	v17 =	vld [tilespmem:s16+$0xFFFFFFE0];
	v16 =	vadd.f32 v16, v21;
	v5 =	vadd.f32 v7, v5;
	v20 =	vmul.f32 v22, v26  }
0xa4: {  	v18 =	vld [tilespmem:s16+$0xFFFFFFF0];
	[tilespmem:s15+$0xFFFFFFC0] =	vst v12;
	v6 =	vadd.f32 v6, v15;
	v12 =	vmax.f32 v23, $8.108108490e-02;
	v8 =	vadd.f32 v8, v10  }
0xa5: {  	v9 =	vadd.f32 v9, v20;
	v7 =	vmax.f32 v13, $8.108108490e-02;
	v20 =	vmin.f32 v12, $9.189189670e-01  }
0xa6: {  	[tilespmem:s15+$0xFFFFFFD0] =	vst v14;
	v12 =	vmin.f32 v7, $9.189189670e-01;
	v7 =	vmax.f32 v11, $8.108108490e-02;
	v15 =	vmul.f32 $3.700000000e+01, v20  }
0xa7: {  	v10 =	vld [tilespmem:s16+$0x0];
	vm11 =	vge.f32 v20, $9.189189670e-01;
	vm1 =	vle.f32 v20, $8.108108490e-02;
	[tilespmem:s15+$0x0] =	vst v9;
	v9 =	vmul.f32 $3.700000000e+01, v12  }
0xa8: {  	v13 =	vmin.f32 v7, $9.189189670e-01;
	v7 =	vmax.f32 v17, $8.108108490e-02;
	v24 =	vadd.f32 $-8.108108490e-02, v12  }
0xa9: {  	v19 =	vld [tilespmem:s16+$0x10];
	[tilespmem:s15+$0xFFFFFFF0] =	vst v8;
	v14 =	vmin.f32 v7, $9.189189670e-01;
	v7 =	vmax.f32 v18, $8.108108490e-02;
	v8 =	vtrunc.f32 v15  }
0xaa: {  	v11 =	vld [tilespmem:s16+$0x20];
	[tilespmem:s15+$0x20] =	vst v6;
	v6 =	vmul.f32 $3.700000000e+01, v13;
	v25 =	vadd.f32 $-8.108108490e-02, v13;
	vm10 =	vle.f32 v13, $8.108108490e-02  }
0xab: {  	v15 =	vmin.f32 v7, $9.189189670e-01;
	v7 =	vcvt.f32.s32 v8;
	v8 =	vmul.f32 $3.700000000e+01, v14  }
0xac: {  	v9 =	vtrunc.f32 v9;
	v29 =	vadd.f32 $-8.108108490e-02, v14;
	vm2 =	vge.f32 v14, $9.189189670e-01  }
0xad: {  	[tilespmem:s15+$0x10] =	vst v5;
	v5 =	vmax.f32 v10, $8.108108490e-02;
	v10 =	vmul.f32 $3.700000000e+01, v15;
	v30 =	vadd.f32 $-8.108108490e-02, v15  }
0xae: {  	v6 =	vtrunc.f32 v6;
	v9 =	vcvt.f32.s32 v9;
	vm12 =	vge.f32 v15, $9.189189670e-01  }
0xaf: {  	[tilespmem:s15+$0xFFFFFFE0] =	vst v16;
	v16 =	vmin.f32 v5, $9.189189670e-01;
	v5 =	vmax.f32 v19, $8.108108490e-02;
	v7 =	vadd.s32 $0x1, v7  }
0xb0: {  	v8 =	vtrunc.f32 v8;
	v6 =	vcvt.f32.s32 v6;
	v17 =	vmin.f32 v5, $9.189189670e-01  }
0xb1: {  	v5 =	vmax.f32 v11, $8.108108490e-02;
	vm0 =	vgt.s32 v7, $0x4;
	v11 =	vmul.f32 $3.700000000e+01, v16  }
0xb2: {  	v32 =	vadd.f32 $-8.108108490e-02, v16;
	v10 =	vtrunc.f32 v10;
	v8 =	vcvt.f32.s32 v8  }
0xb3: {  	vm13 =	vge.f32 v16, $9.189189670e-01;
	v18 =	vmin.f32 v5, $9.189189670e-01;
	v5 =	vadd.f32 $-8.108108490e-02, v20  }
0xb4: {  	v7 =	vnsel vm0, $0x4, v7;
	v19 =	vmul.f32 $3.700000000e+01, v17;
	v33 =	vadd.f32 $-8.108108490e-02, v17  }
0xb5: {  	s14 =	sadd.s32 $0x80, s14;
	vm0 =	vge.f32 v12, $9.189189670e-01;
	vm14 =	vge.f32 v17, $9.189189670e-01;
	v7 =	vmin.u32 v7, $0x22  }
0xb6: {  	s17 =	sand.u32 $0x380, s14;
	v20 =	vmul.f32 $3.700000000e+01, v18;
	v34 =	vadd.f32 $-8.108108490e-02, v18;
	v5 =	vmul.f32 v5, v62  }
0xb7: {  	s22 =	smul.u32 $0x23, s17;
	v11 =	vtrunc.f32 v11;
	vm15 =	vge.f32 v18, $9.189189670e-01;
	v7 =	vsel vm11, $0x22, v7  }
0xb8: {  	v19 =	vtrunc.f32 v19;
	v11 =	vcvt.f32.s32 v11;
	v5 =	vmax.f32 v5, $0.0e+00  }
0xb9: {  	s23 =	sadd.s32 $0xF4D, s22;
	v7 =	vsel vm1, $0x3, v7;
	v20 =	vtrunc.f32 v20;
	v5 =	vmin.f32 v5, $1.000000000e+00  }
0xba: {  	v7 =	vadd.s32 s23, v7;
	v22 =	vmul.f32 $1.666666720e-01, v5;
	v23 =	vmul.f32 $5.000000000e-01, v5  }
0xbb: {  	v19 =	vcvt.f32.s32 v19;
	v21 =	vadd.s32 v58, v7;
	v26 =	vadd.s32 v59, v7  }
0xbc: {  	v31 =	vadd.s32 v60, v7;
	v27 =	vsub.f32 $5.000000000e-01, v22;
	v28 =	vadd.f32 $-1.000000000e+00, v23  }
0xbd: {  	v7 =	vadd.s32 v57, v7;
	v23 =	vsub.f32 $5.000000000e-01, v23;
	v22 =	vadd.f32 $0.0e+00, v22  }
0xbe: {  	vm11 =	vle.f32 v14, $8.108108490e-02;
	v27 =	vmul.f32 v27, v5;
	v28 =	vmul.f32 v28, v5  }
0xbf: {  	vm1 =	vge.f32 v13, $9.189189670e-01;
	v23 =	vmul.f32 v23, v5;
	v22 =	vmul.f32 v22, v5  }
0xc0: {  	v20 =	vcvt.f32.s32 v20;
	v21 =	vld.idx.msk [tilespmem:v21+s2+$0x0], $0xffff;
	v27 =	vadd.f32 $-5.000000000e-01, v27;
	v28 =	vadd.f32 $0.0e+00, v28  }
0xc1: {  	v53 =	vadd.s32 $0x1, v11;
	v26 =	vld.idx.msk [tilespmem:v26+s2+$0x0], $0xffff;
	v23 =	vadd.f32 $5.000000000e-01, v23;
	v22 =	vadd.f32 $0.0e+00, v22  }
0xc2: {  	v54 =	vadd.s32 $0x1, v19;
	v7 =	vld.idx.msk [tilespmem:v7+s2+$0x0], $0xffff;
	v27 =	vmul.f32 v27, v5;
	v28 =	vmul.f32 v28, v5  }
0xc3: {  	vm7 =	vgt.s32 v53, $0x4;
	v23 =	vmul.f32 v23, v5;
	v5 =	vmul.f32 v22, v5  }
0xc4: {  	v55 =	vadd.s32 $0x1, v20;
	v31 =	vld.idx.msk [tilespmem:v31+s2+$0x0], $0xffff;
	v27 =	vadd.f32 $1.666666720e-01, v27;
	v28 =	vadd.f32 $6.666666860e-01, v28  }
0xc5: {  	vm8 =	vgt.s32 v54, $0x4;
	vm9 =	vgt.s32 v55, $0x4;
	v5 =	vadd.f32 $0.0e+00, v5  }
0xc6: {  	v23 =	vadd.f32 $1.666666720e-01, v23;
	v21 =	vmul.f32 v27, v21;
	v22 =	vmul.f32 v28, v26  }
0xc7: {  	v5 =	vmul.f32 v5, v7;
	v27 =	vadd.s32 $0x1, v6;
	v28 =	vadd.s32 $0x1, v8  }
0xc8: {  	v26 =	vmul.f32 v33, v62;
	vm4 =	vgt.s32 v27, $0x4;
	vm5 =	vgt.s32 v28, $0x4  }
0xc9: {  	v21 =	vadd.f32 v22, v21;
	v22 =	vmul.f32 v23, v31;
	v23 =	vmul.f32 v24, v62  }
0xca: {  	v24 =	vmul.f32 v25, v62;
	v25 =	vmul.f32 v32, v62;
	v26 =	vmax.f32 v26, $0.0e+00  }
0xcb: {  	v27 =	vnsel vm4, $0x4, v27;
	v28 =	vnsel vm5, $0x4, v28;
	v31 =	vnsel vm8, $0x4, v54  }
0xcc: {  	v32 =	vnsel vm9, $0x4, v55;
	vm9 =	vle.f32 v12, $8.108108490e-02;
	v27 =	vmin.u32 v27, $0x22  }
0xcd: {  	v28 =	vmin.u32 v28, $0x22;
	v31 =	vmin.u32 v31, $0x22;
	v32 =	vmin.u32 v32, $0x22  }
0xce: {  	v21 =	vadd.f32 v21, v22;
	v7 =	vmax.f32 v23, $0.0e+00;
	v22 =	vmul.f32 v29, v62  }
0xcf: {  	v23 =	vmul.f32 v30, v62;
	v30 =	vnsel vm7, $0x4, v53;
	v27 =	vsel vm1, $0x22, v27  }
0xd0: {  	v28 =	vsel vm2, $0x22, v28;
	v31 =	vsel vm14, $0x22, v31;
	v12 =	vsel vm15, $0x22, v32  }
0xd1: {  	vm14 =	vle.f32 v17, $8.108108490e-02;
	vm15 =	vle.f32 v18, $8.108108490e-02;
	v11 =	vmin.f32 v7, $1.000000000e+00  }
0xd2: {  	v30 =	vmin.u32 v30, $0x22;
	v14 =	vsel vm10, $0x3, v27;
	v18 =	vsel vm14, $0x3, v31  }
0xd3: {  	v12 =	vsel vm15, $0x3, v12;
	v5 =	vadd.f32 v21, v5;
	v21 =	vmax.f32 v24, $0.0e+00  }
0xd4: {  	v24 =	vmul.f32 v34, v62;
	v22 =	vmax.f32 v22, $0.0e+00;
	v2 =	vmul.f32 $1.666666720e-01, v11  }
0xd5: {  	s15 =	sadd.s32 $0x80, s15;
	v56 =	vmul.f32 $5.000000000e-01, v11;
	v30 =	vsel vm13, $0x22, v30;
	vm13 =	vle.f32 v16, $8.108108490e-02  }
0xd6: {  	v8 =	vmin.f32 v21, $1.000000000e+00;
	v17 =	vsel vm13, $0x3, v30;
	[tilespmem:s15+$0x30] =	vst v5;
	v5 =	vcvt.f32.s32 v10  }
0xd7: {  	v10 =	vmax.f32 v23, $0.0e+00;
	v23 =	vmax.f32 v25, $0.0e+00;
	v25 =	vadd.s32 $0x1, v9  }
0xd8: {  	v24 =	vmax.f32 v24, $0.0e+00;
	v9 =	vmin.f32 v22, $1.000000000e+00;
	v20 =	vmul.f32 $1.666666720e-01, v8  }
0xd9: {  	s20 =	sadd.s32 $0x8BD, s22;
	v61 =	vmul.f32 $5.000000000e-01, v8;
	v40 =	vsub.f32 $5.000000000e-01, v2;
	v41 =	vadd.f32 $-1.000000000e+00, v56  }
0xda: {  	v33 =	vsub.f32 $5.000000000e-01, v56;
	v27 =	vadd.s32 s20, v17;
	v6 =	vmin.f32 v10, $1.000000000e+00  }
0xdb: {  	v7 =	vmin.f32 v23, $1.000000000e+00;
	vm3 =	vgt.s32 v25, $0x4;
	v10 =	vmin.f32 v24, $1.000000000e+00  }
0xdc: {  	v21 =	vmul.f32 $1.666666720e-01, v9;
	v35 =	vmul.f32 $5.000000000e-01, v9;
	v56 =	vadd.s32 v58, v27  }
0xdd: {  	v1 =	vadd.s32 v59, v27;
	v29 =	vadd.s32 $0x1, v5;
	v23 =	vmul.f32 $1.666666720e-01, v6  }
0xde: {  	v5 =	vmin.f32 v26, $1.000000000e+00;
	v36 =	vmul.f32 $5.000000000e-01, v6;
	v22 =	vmul.f32 $1.666666720e-01, v7  }
0xdf: {  	v26 =	vnsel vm3, $0x4, v25;
	v37 =	vmul.f32 $5.000000000e-01, v7;
	v24 =	vmul.f32 $1.666666720e-01, v10  }
0xe0: {  	v39 =	vmul.f32 $5.000000000e-01, v10;
	v42 =	vsub.f32 $5.000000000e-01, v20;
	v43 =	vadd.f32 $-1.000000000e+00, v61  }
0xe1: {  	v31 =	vmul.f32 v40, v11;
	v32 =	vmul.f32 v41, v11;
	v34 =	vsub.f32 $5.000000000e-01, v61  }
0xe2: {  	v33 =	vmul.f32 v33, v11;
	vm6 =	vgt.s32 v29, $0x4;
	v44 =	vsub.f32 $5.000000000e-01, v21  }
0xe3: {  	v25 =	vmul.f32 $1.666666720e-01, v5;
	v45 =	vadd.f32 $-1.000000000e+00, v35;
	v35 =	vsub.f32 $5.000000000e-01, v35  }
0xe4: {  	v38 =	vmul.f32 $5.000000000e-01, v5;
	v46 =	vsub.f32 $5.000000000e-01, v23;
	v47 =	vadd.f32 $-1.000000000e+00, v36  }
0xe5: {  	v26 =	vmin.u32 v26, $0x22;
	v48 =	vsub.f32 $5.000000000e-01, v22;
	v49 =	vadd.f32 $-1.000000000e+00, v37  }
0xe6: {  	v29 =	vnsel vm6, $0x4, v29;
	v52 =	vsub.f32 $5.000000000e-01, v24;
	v53 =	vadd.f32 $-1.000000000e+00, v39  }
0xe7: {  	v26 =	vsel vm0, $0x22, v26;
	v36 =	vsub.f32 $5.000000000e-01, v36;
	v37 =	vsub.f32 $5.000000000e-01, v37  }
0xe8: {  	v40 =	vmul.f32 v42, v8;
	v39 =	vsub.f32 $5.000000000e-01, v39;
	v31 =	vadd.f32 $-5.000000000e-01, v31  }
0xe9: {  	v41 =	vmul.f32 v43, v8;
	v32 =	vadd.f32 $0.0e+00, v32;
	v4 =	vadd.f32 $0.0e+00, v22  }
0xea: {  	v34 =	vmul.f32 v34, v8;
	v24 =	vadd.f32 $0.0e+00, v24;
	v33 =	vadd.f32 $5.000000000e-01, v33  }
0xeb: {  	v29 =	vmin.u32 v29, $0x22;
	v50 =	vsub.f32 $5.000000000e-01, v25;
	v51 =	vadd.f32 $-1.000000000e+00, v38  }
0xec: {  	v13 =	vsel vm9, $0x3, v26;
	v42 =	vmul.f32 v44, v9;
	v43 =	vmul.f32 v45, v9  }
0xed: {  	v38 =	vsub.f32 $5.000000000e-01, v38;
	v35 =	vmul.f32 v35, v9;
	v25 =	vadd.f32 $0.0e+00, v25  }
0xee: {  	v29 =	vsel vm12, $0x22, v29;
	vm12 =	vle.f32 v15, $8.108108490e-02;
	v44 =	vmul.f32 v46, v6  }
0xef: {  	s31 =	sadd.s32 $0xAED, s22;
	v15 =	vsel vm11, $0x3, v28;
	v45 =	vmul.f32 v47, v6;
	v46 =	vmul.f32 v48, v7  }
0xf0: {  	v47 =	vmul.f32 v49, v7;
	v28 =	vadd.s32 s31, v18;
	v36 =	vmul.f32 v36, v6  }
0xf1: {  	v40 =	vadd.f32 $-5.000000000e-01, v40;
	v37 =	vmul.f32 v37, v7;
	v39 =	vmul.f32 v39, v10  }
0xf2: {  	v41 =	vadd.f32 $0.0e+00, v41;
	v31 =	vmul.f32 v31, v11;
	v32 =	vmul.f32 v32, v11  }
0xf3: {  	v34 =	vadd.f32 $5.000000000e-01, v34;
	v48 =	vmul.f32 v50, v5;
	v49 =	vmul.f32 v51, v5  }
0xf4: {  	s17 =	sadd.s32 $0xFFFFFFFD, s22;
	s18 =	sadd.s32 $0x22D, s22;
	s21 =	sadd.s32 $0x45D, s22;
	v16 =	vsel vm12, $0x3, v29;
	v50 =	vmul.f32 v52, v10;
	v51 =	vmul.f32 v53, v10  }
0xf5: {  	s19 =	sadd.s32 $0x68D, s22;
	s22 =	sadd.s32 $0xD1D, s22;
	v52 =	vadd.s32 s17, v13;
	v53 =	vadd.s32 s18, v14;
	v30 =	vadd.s32 s21, v15  }
0xf6: {  	v0 =	vld [tilespmem:$0x1FFF0];
	v29 =	vadd.s32 s22, v12;
	v42 =	vadd.f32 $-5.000000000e-01, v42;
	v43 =	vadd.f32 $0.0e+00, v43  }
0xf7: {  	v62 =	vld [tilespmem:$0x1FFE0];
	v38 =	vmul.f32 v38, v5;
	v12 =	vadd.f32 $0.0e+00, v23;
	v3 =	vadd.s32 v60, v28  }
0xf8: {  	v35 =	vadd.f32 $5.000000000e-01, v35;
	v26 =	vadd.s32 s19, v16;
	v54 =	vadd.s32 v58, v52  }
0xf9: {  	v13 =	vadd.s32 v59, v52;
	v14 =	vadd.s32 v58, v53;
	v15 =	vadd.s32 v59, v53  }
0xfa: {  	v16 =	vadd.s32 v58, v30;
	v17 =	vadd.s32 v59, v30;
	v44 =	vadd.f32 $-5.000000000e-01, v44  }
0xfb: {  	v19 =	vadd.s32 v0, v29;
	v45 =	vadd.f32 $0.0e+00, v45;
	v46 =	vadd.f32 $-5.000000000e-01, v46  }
0xfc: {  	v61 =	vadd.s32 v62, v29;
	v47 =	vadd.f32 $0.0e+00, v47;
	v62 =	vadd.f32 $0.0e+00, v2  }
0xfd: {  	v0 =	vadd.f32 $0.0e+00, v21;
	v23 =	vadd.s32 v60, v30;
	v2 =	vadd.s32 v60, v27  }
0xfe: {  	v40 =	vmul.f32 v40, v8;
	v41 =	vmul.f32 v41, v8;
	v36 =	vadd.f32 $5.000000000e-01, v36  }
0xff: {  	v1 =	vld.idx.msk [tilespmem:v1+s2+$0x0], $0xffff;
	v37 =	vadd.f32 $5.000000000e-01, v37;
	v39 =	vadd.f32 $5.000000000e-01, v39;
	v52 =	vadd.s32 v57, v52  }
0x100: {  	v34 =	vmul.f32 v34, v8;
	v18 =	vadd.s32 v58, v26;
	v55 =	vadd.s32 v59, v26  }
0x101: {  	v21 =	vld.idx.msk [tilespmem:v56+s2+$0x0], $0xffff;
	v58 =	vadd.s32 v58, v28;
	v59 =	vadd.s32 v59, v28;
	v48 =	vadd.f32 $-5.000000000e-01, v48  }
0x102: {  	v49 =	vadd.f32 $0.0e+00, v49;
	v42 =	vmul.f32 v42, v9;
	v43 =	vmul.f32 v43, v9;
	v63 =	vld.idx.msk [tilespmem:v54+s2+$0x0], $0xffff  }
0x103: {  	v50 =	vadd.f32 $-5.000000000e-01, v50;
	v35 =	vmul.f32 v35, v9;
	v44 =	vmul.f32 v44, v6;
	v14 =	vld.idx.msk [tilespmem:v14+s2+$0x0], $0xffff  }
0x104: {  	v51 =	vadd.f32 $0.0e+00, v51;
	v45 =	vmul.f32 v45, v6;
	[tilespmem:$0x1FFA0] =	vst v1;
	v1 =	vadd.s32 v60, v26;
	v15 =	vld.idx.msk [tilespmem:v15+s2+$0x0], $0xffff  }
0x105: {  	v46 =	vmul.f32 v46, v7;
	v47 =	vmul.f32 v47, v7;
	v54 =	vadd.s32 $0x2, v54;
	v55 =	vld.idx.msk [tilespmem:v55+s2+$0x0], $0xffff  }
0x106: {  	v38 =	vadd.f32 $5.000000000e-01, v38;
	v36 =	vmul.f32 v36, v6;
	v37 =	vmul.f32 v37, v7;
	v16 =	vld.idx.msk [tilespmem:v16+s2+$0x0], $0xffff  }
0x107: {  	v40 =	vadd.f32 $1.666666720e-01, v40;
	v39 =	vmul.f32 v39, v10;
	v48 =	vmul.f32 v48, v5;
	v17 =	vld.idx.msk [tilespmem:v17+s2+$0x0], $0xffff  }
0x108: {  	v41 =	vadd.f32 $6.666666860e-01, v41;
	v49 =	vmul.f32 v49, v5;
	v50 =	vmul.f32 v50, v10;
	v22 =	vld.idx.msk [tilespmem:v19+s2+$0x0], $0xffff  }
0x109: {  	v42 =	vadd.f32 $1.666666720e-01, v42;
	v43 =	vadd.f32 $6.666666860e-01, v43;
	v38 =	vmul.f32 v38, v5;
	v56 =	vld.idx.msk [tilespmem:v1+s2+$0x0], $0xffff  }
0x10a: {  	v37 =	vadd.f32 $1.666666720e-01, v37;
	v1 =	vmul.f32 v24, v10;
	v19 =	vld.idx.msk [tilespmem:v54+s2+$0x0], $0xffff;
	[tilespmem:$0x1FF90] =	vst v55;
	v55 =	vadd.s32 v60, v53  }
0x10b: {  	[tilespmem:$0x1FF80] =	vst v63;
	v63 =	vadd.f32 $0.0e+00, v20;
	v20 =	vadd.s32 v60, v29;
	v54 =	vld.idx.msk [tilespmem:v2+s2+$0x0], $0xffff;
	v2 =	vmul.f32 v0, v9  }
0x10c: {  	v39 =	vadd.f32 $1.666666720e-01, v39;
	v0 =	vmul.f32 v12, v6;
	v12 =	vmul.f32 v4, v7  }
0x10d: {  	v13 =	vld.idx.msk [tilespmem:v13+s2+$0x0], $0xffff;
	v38 =	vadd.f32 $1.666666720e-01, v38;
	v14 =	vmul.f32 v40, v14;
	v15 =	vmul.f32 v41, v15  }
0x10e: {  	v1 =	vadd.f32 $0.0e+00, v1;
	v16 =	vmul.f32 v42, v16;
	v17 =	vmul.f32 v43, v17;
	v4 =	vld [tilespmem:$0x1FF80]  }
0x10f: {  	v53 =	vadd.s32 v57, v53;
	v0 =	vadd.f32 $0.0e+00, v0;
	[tilespmem:$0x1FFB0] =	vst v19;
	v19 =	vld.idx.msk [tilespmem:v55+s2+$0x0], $0xffff;
	v55 =	vmul.f32 v62, v11  }
0x110: {  	v62 =	vmul.f32 v63, v8;
	v63 =	vld.idx.msk [tilespmem:v20+s2+$0x0], $0xffff;
	v20 =	vadd.s32 v57, v30;
	v30 =	vmul.f32 v25, v5  }
0x111: {  	v61 =	vld.idx.msk [tilespmem:v61+s2+$0x0], $0xffff;
	v25 =	vadd.s32 v57, v27;
	v27 =	vadd.s32 v57, v28;
	v28 =	vadd.f32 $1.666666720e-01, v31  }
0x112: {  	v51 =	vmul.f32 v51, v10;
	v18 =	vld.idx.msk [tilespmem:v18+s2+$0x0], $0xffff;
	v14 =	vadd.f32 v15, v14;
	v31 =	vadd.f32 $6.666666860e-01, v32  }
0x113: {  	v58 =	vld.idx.msk [tilespmem:v58+s2+$0x0], $0xffff;
	v16 =	vadd.f32 v17, v16;
	v32 =	vmul.f32 v33, v11;
	v28 =	vmul.f32 v28, v4  }
0x114: {  	v33 =	vld.idx.msk [tilespmem:v52+s2+$0x0], $0xffff;
	v4 =	vadd.f32 $0.0e+00, v2;
	v13 =	vmul.f32 v31, v13;
	v30 =	vadd.f32 $0.0e+00, v30  }
0x115: {  	v24 =	vadd.s32 v57, v26;
	v52 =	vld.idx.msk [tilespmem:v53+s2+$0x0], $0xffff;
	v31 =	vadd.f32 $1.666666720e-01, v32;
	v32 =	vadd.f32 $1.666666720e-01, v34  }
0x116: {  	v29 =	vadd.s32 v57, v29;
	v28 =	vadd.f32 v13, v28;
	v53 =	vld.idx.msk [tilespmem:v20+s2+$0x0], $0xffff;
	v20 =	vadd.f32 $1.666666720e-01, v44  }
0x117: {  	v43 =	vld [tilespmem:$0x1FF90];
	v1 =	vmul.f32 v1, v10;
	v44 =	vadd.f32 $6.666666860e-01, v45;
	v45 =	vadd.f32 $1.666666720e-01, v46  }
0x118: {  	v59 =	vld.idx.msk [tilespmem:v59+s2+$0x0], $0xffff;
	v0 =	vmul.f32 v0, v6;
	v46 =	vadd.f32 $6.666666860e-01, v47;
	v47 =	vadd.f32 $1.666666720e-01, v48  }
0x119: {  	v4 =	vmul.f32 v4, v9;
	v26 =	vld.idx.msk [tilespmem:v25+s2+$0x0], $0xffff;
	v48 =	vadd.f32 $6.666666860e-01, v49;
	v49 =	vadd.f32 $1.666666720e-01, v50  }
0x11a: {  	v5 =	vmul.f32 v30, v5;
	v25 =	vld.idx.msk [tilespmem:v27+s2+$0x0], $0xffff;
	v50 =	vadd.f32 $6.666666860e-01, v51;
	v51 =	vadd.f32 $0.0e+00, v55  }
0x11b: {  	v27 =	vld.idx.msk [tilespmem:v29+s2+$0x0], $0xffff;
	v29 =	vadd.f32 $0.0e+00, v12;
	v12 =	vmul.f32 v39, v63;
	v18 =	vmul.f32 v20, v18  }
0x11c: {  	v23 =	vld.idx.msk [tilespmem:v23+s2+$0x0], $0xffff;
	[tilespmem:$0x1FFC0] =	vst v19;
	v55 =	vadd.f32 $0.0e+00, v62;
	v19 =	vmul.f32 v44, v43;
	v21 =	vmul.f32 v45, v21  }
0x11d: {  	v3 =	vld.idx.msk [tilespmem:v3+s2+$0x0], $0xffff;
	v5 =	vadd.f32 $0.0e+00, v5;
	v47 =	vmul.f32 v47, v58;
	v48 =	vmul.f32 v48, v59  }
0x11e: {  	v20 =	vadd.f32 $1.666666720e-01, v35;
	v44 =	vld [tilespmem:$0x1FFA0];
	v49 =	vmul.f32 v49, v22;
	v50 =	vmul.f32 v50, v61  }
0x11f: {  	v11 =	vmul.f32 v51, v11;
	v13 =	vmul.f32 v55, v8;
	v51 =	vld [tilespmem:$0x1FFB0];
	v61 =	vadd.f32 $0.0e+00, v4  }
0x120: {  	v15 =	vmul.f32 v29, v7;
	v55 =	vld [tilespmem:$0x1FFC0];
	v8 =	vadd.f32 v19, v18;
	v7 =	vadd.f32 v48, v47  }
0x121: {  	v6 =	vadd.f32 v50, v49;
	v17 =	vadd.f32 $0.0e+00, v11;
	v23 =	vmul.f32 v20, v23  }
0x122: {  	p0 =	slt.u32 s14, $0x3F80;
	v18 =	vadd.f32 $0.0e+00, v13;
	v13 =	vmul.f32 v37, v54;
	v11 =	vmul.f32 v38, v3  }
.Ltmp0:
0x123: {  	v20 =	vadd.f32 $0.0e+00, v0;
	v22 =	vadd.f32 $0.0e+00, v15;
	v45 =	vmul.f32 v46, v44;
	(pc) =	sbr.rel @p0 .LBB2_3-.Ltmp0, $4  }
0x124: {  	v24 =	vld.idx.msk [tilespmem:v24+s2+$0x0], $0xffff;
	v19 =	vadd.f32 $0.0e+00, v1;
	v17 =	vmul.f32 v17, v33;
	v46 =	vadd.f32 $1.666666720e-01, v36  }
0x125: {  	v62 =	vld [tilespmem:$0x1FFD0];
	v29 =	vmul.f32 v31, v51;
	v9 =	vadd.f32 v45, v21;
	v21 =	vmul.f32 v32, v55  }
0x126: {  	v58 =	vld [tilespmem:$0x1FFF0];
	v18 =	vmul.f32 v18, v52;
	v16 =	vadd.f32 v16, v23;
	v10 =	vmul.f32 v46, v56  }
0x127: {  	s16 =	sadd.s32 $0x80, s16;
	v59 =	vld [tilespmem:$0x1FFE0];
	v15 =	vadd.f32 v28, v29;
	v14 =	vadd.f32 v14, v21;
	v21 =	vmul.f32 v61, v53  }
0x128: {  	_ = 	snop  }
0x129: {  	v0 =	vadd.f32 v15, v17  }
0x12a: {  	v1 =	vadd.f32 v9, v13;
	v2 =	vmul.f32 v22, v26;
	v3 =	vadd.f32 v14, v18  }
0x12b: {  	v56 =	vadd.f32 v6, v12;
	v61 =	vmul.f32 v19, v27;
	v54 =	vadd.f32 v16, v21;
	[tilespmem:s15+$0xFFFFFFC0] =	vst v0  }
0x12c: {  	v4 =	vadd.f32 v8, v10;
	v53 =	vmul.f32 v20, v24;
	v1 =	vadd.f32 v1, v2;
	[tilespmem:s15+$0xFFFFFFD0] =	vst v3  }
0x12d: {  	v55 =	vadd.f32 v7, v11;
	v5 =	vmul.f32 v5, v25;
	v63 =	vadd.f32 v56, v61;
	[tilespmem:s15+$0xFFFFFFE0] =	vst v54  }
0x12e: {  	v4 =	vadd.f32 v4, v53;
	[tilespmem:s15+$0x0] =	vst v1  }
0x12f: {  	s12 =	sadd.s32 $0x1, s12;
	v0 =	vadd.f32 v55, v5;
	[tilespmem:s15+$0x20] =	vst v63  }
0x130: {  	p0 =	sne.s32 s12, $0x10;
	[tilespmem:s15+$0xFFFFFFF0] =	vst v4  }
.Ltmp1:
0x131: {  	s13 =	sadd.s32 s5, s13;
	[tilespmem:s15+$0x10] =	vst v0;
	(pc) =	sbr.rel @p0 .LBB2_2-.Ltmp1, $4  }
0x132: {  	[hbm4b:s13+s2] =	stream.linear.scatter [tilespmem:s10], [sflag:$0x1], $0x4000, $0x38;
	[tilespmem:$0x10C00] =	vst v63  }
0x133: {  	_ =	swait.ge [sflag:s8], $0x4000  }
0x134: {  	[sflag:s8] =	ssyncset.done $0x0  }
0x135: {  	[sflag:s8] =	ssyncadd.s32 $0xFFFFC000  }
0x136: {  	s11 =	sadd.s32 $0x1, s11  }
0x137: {  	p0 =	sne.s32 s11, s7  }
.Ltmp2:
0x138: {  	_ = 	snop;
	(pc) =	sbr.rel @p0 .LBB2_1-.Ltmp2, $1  }
0x139: {  	_ =	sdelay $0x3  }
0x13a: {  	_ =	sfence.sel $0x180000  }
0x13b: {  	[bflag:$0x0] =	sbarrier.arrive $0xFFFF  }
0x13c: {  	p0 =	sne.s32 s3, $0x0;
	_ =	strace $0x9000004A  }
0x13d: {  	s0 =	sadd.s32 @!p0 $0x100000, s0;
	[bflag:$0x2] =	sbarrier.arrive $0xFFFF  }
0x13e: {  	[sflag:s0] =	ssyncadd.tile.s32 @!p0 $0x1;
	_ =	shalt  }
.Lfunc_end2:
_tile_overlayer_lowered:
.L_overlay_start_2:
0x13f: {  	(tag) =	ssettag $0x2  }
0x140: {  	s0 =	rddreg [dreg:$0x0];
	s2 =	stileid.u32  }
0x141: {  	s1 =	rddreg [dreg:$0x1];
	p0 =	sne.s32 s2, $0x0  }
0x142: {  	s3 =	rddreg [dreg:$0x2];
	[bflag:$0x3] =	sbarrier.arrive $0xFFFF;
	s2 =	simm.s32 @!p0 $0x1C01  }
0x143: {  	[timem:s3], [sflag:s2] =	dma.local @!p0 [hbm:s0], s1  }
0x144: {  	s0 =	simm.s32 @!p0 $0x1  }
0x145: {  	_ =	swait.ge @!p0 [sflag:s0], s1  }
0x146: {  	s1 =	ssub.s32 @!p0 $0x0, s1;
	[sflag:s0] =	ssyncset.done @!p0 $0x0  }
0x147: {  	[sflag:s0] =	ssyncadd.s32 @!p0 s1  }
0x148: {  	[bflag:$0x3] =	sbarrier.arrive $0xFFFF  }
0x149: {  	_ =	shalt  }

// kernel: sparse-core-data-format-call.cloned.1.call-start
scs
called_computation_lowered:
.L_overlay_start_0:
0x0: {  	s2 =	sld [smem:$0x3FD9]  }
0x1: {  	s3 =	sld [smem:$0x3FFE];
	_ =	sdelay $0x1  }
0x2: {  	s1 =	srdreg.scid  }
0x3: {  	s0 =	sand.u32 $0x1, s1  }
0x4: {  	s19 =	sshll.u32 s0, $0xA;
	s2 =	sadd.s32 s3, s2  }
0x5: {  	s2 =	sadd.s32 s2, s19  }
0x6: {  	[smem:$0x3FC6] =	sst s2  }
0x7: {  	_ = 	snop  }
0x8: {  	s2 =	sld [smem:$0x3FC9]  }
0x9: {  	s20 =	sld [smem:$0x3FD0];
	(tm) =	ssettm $0x1  }
0xa: {  	s4 =	sld [smem:$0x3FFB];
	_ =	sdelay $0x3  }
0xb: {  	_ =	strace s4  }
0xc: {  	s4 =	sld [smem:$0x3FFC];
	_ =	sdelay $0x3  }
0xd: {  	_ =	strace s4  }
0xe: {  	s4 =	sld [smem:$0x3FFD];
	_ =	sdelay $0x3  }
0xf: {  	_ =	strace s4  }
0x10: {  	_ =	strace $0x8FFFFFFF  }
0x11: {  	s21 =	sld [smem:$0x3FDB];
	_ =	sdelay $0x1  }
0x12: {  	s5 =	simm.s32 $_scs_section_size  }
0x13: {  	s6 =	simm.s32 $_size__tile_overlayer_lowered;
	s7 =	simm.s32 $_tile_overlayer_lowered  }
0x14: {  	s24 =	simm.s32 $0x1BFF;
	s23 =	sshll.u32 s7, $0x1;
	s4 =	sadd.s32 s5, s21  }
0x15: {  	s8 =	simm.s32 $0x0;
	s22 =	sshll.u32 s6, $0x1;
	s6 =	sadd.s32 s23, s4  }
0x16: {  	[timem:s8], [sflag:s24] =	dma.local [hbm:s6], s22  }
0x17: {  	_ =	swait.ge [sflag:s24], s22  }
0x18: {  	s5 =	ssub.s32 $0x0, s22;
	[sflag:s24] =	ssyncset.done $0x0  }
0x19: {  	[sflag:s24] =	ssyncadd.s32 s5;
	_ =	sdelay $0x1  }
0x1a: {  	s25 =	simm.s32 $0x1B8B  }
0x1b: {  	_ =	swait.ge [sflag:s25], $0x1  }
0x1c: {  	[sflag:s25] =	ssyncset.done $0x0  }
0x1d: {  	s26 =	simm.s32 $0x1B8E;
	[sflag:s25] =	ssyncadd.s32 $0xFFFFFFFF  }
0x1e: {  	s27 =	simm.s32 $execute0_lowered;
	[smem:$0x3FD2] =	sst s26  }
0x1f: {  	s5 =	sshll.u32 s27, $0x1;
	_ =	strace $0x80000046;
	[dreg:$0x1] =	wrdreg $0xFFFFFFFF  }
0x20: {  	s28 =	simm.s32 $_size_execute0_lowered;
	s4 =	sadd.s32 s4, s5;
	[dreg:$0x0] =	wrdreg $0x0  }
0x21: {  	s5 =	sshll.u32 s28, $0x1;
	[dreg:$0x2] =	wrdreg s4  }
0x22: {  	[dreg:$0x3] =	wrdreg s5  }
0x23: {  	[dreg:$0x4] =	wrdreg $0xC0  }
0x24: {  	_ =	task [dreg:s8], $0x5FFFF  }
0x25: {  	[dreg:$0x1] =	wrdreg $0xFFFFFFFF  }
0x26: {  	[dreg:$0x0] =	wrdreg $0x60  }
0x27: {  	[dreg:$0x2] =	wrdreg s2  }
0x28: {  	[dreg:$0x3] =	wrdreg s20  }
0x29: {  	[dreg:$0x4] =	wrdreg $0x9  }
0x2a: {  	_ =	task.clear_ibuf [dreg:s8], $0x5FFFF;
	_ =	strace $0x90000046  }
0x2b: {  	s29 =	simm.s32 $0x9;
	_ =	strace $0x80000048  }
0x2c: {  	_ =	swait.ge [sflag:s29], $0x1  }
0x2d: {  	[sflag:s29] =	ssyncadd.s32 $0xFFFFFFFF  }
0x2e: {  	_ =	strace $0x90000048  }
0x2f: {  	_ =	sfence  }
0x30: {  	s30 =	sld [smem:$0x0];
	_ =	sdelay $0x2  }
0x31: {  	s31 =	sshll.u32 s1, $0xD;
	s1 =	sshrl.u32 s1, $0x2  }
0x32: {  	s3 =	sand.u32 $0x4000, s31;
	s1 =	sadd.s32 s1, s30  }
0x33: {  	s0 =	sor.u32 s3, s0;
	s1 =	sshll.u32 s1, $0x11  }
0x34: {  	s0 =	sor.u32 s1, s0  }
0x35: {  	s0 =	sadd.s32 $0x8F2B, s0  }
0x36: {  	[sflag:s0] =	ssyncadd.remote.s32 $0x1  }
0x37: {  	_ =	sfence.sel $0xFFFF  }
0x38: {  	[dreg:$0x0] =	wrdreg $0xFFFFFFFF;
	(pc) =	sbr.abs _section_cstart, $3  }
0x39: {  	[dreg:$0x1] =	wrdreg $0xFFFFFFFF  }
0x3a: {  	_ =	task.clear_ibuf [dreg:s8], $0x2FFFF;
	_ =	strace $0x9FFFFFFF  }
0x3b: {  	(tm) =	ssettm $0x7FFFFFFF  }
tec
execute0_lowered:
.L_overlay_start_1:
0x0: {  	(tag) =	ssettag $0x1  }
0x1: {  	s0 =	srdreg.scid  }
0x2: {  	s1 =	sshll.u32 s0, $0x4  }
0x3: {  	s2 =	rddreg [dreg:$0x0];
	s0 =	stileid.u32;
	s1 =	sand.u32 $0x10, s1  }
0x4: {  	s4 =	rddreg [dreg:$0x1];
	s1 =	sor.u32 s0, s1  }
0x5: {  	s7 =	simm.s32 $0x1;
	s8 =	simm.s32 $0x2;
	s3 =	sshll.u32 s1, $0x1  }
0x6: {  	s9 =	simm.s32 $0x0;
	s12 =	simm.s32 $0x0;
	s6 =	ssub.s32 $0x400, s3  }
.Ltmp0:
0x7: {  	s11 =	simm.s32 $0x0;
	s5 =	sand.u32 $0x3E, s6;
	(pc) =	sbr.rel .LBB1_1-.Ltmp0, $4  }
0x8: {  	s1 =	rddreg [dreg:$0x2];
	_ =	strace $0x80000047;
	p0 =	sne.s32 s5, $0x0  }
0x9: {  	s6 =	sshrl.u32 s6, $0x6;
	s5 =	simm.s32 $0x1;
	s7 =	simm.s32 @!p0 $0x0  }
0xa: {  	s10 =	smov.u32 s3;
	[sflag:s5] =	ssyncpa.u1 $0x0;
	s6 =	sadd.s32 s7, s6  }
0xb: {  	[sflag:s8] =	ssyncpa.u1 $0x0;
	s8 =	simm.s32 $0x0;
	s7 =	sadd.s32 $0x1, s6  }
.LBB1_9:
0xc: {  	s14 =	sadd.s32 $0x40, s10  }
0xd: {  	p1 =	sgt.s32 s14, $0x3FF  }
0xe: {  	s14 =	smov.u32 @p1 s3;
	p1 =	sne.s32 s11, s7  }
.Ltmp1:
0xf: {  	p0 =	slt.u32 s11, $0x2;
	(pc) =	sbr.rel @!p1 .LBB1_10-.Ltmp1, $4  }
0x10: {  	s13 =	simm.s32 @!p0 $0x2  }
0x11: {  	s15 =	sadd.s32 $0x1, s11;
	_ =	swait.ge @!p0 [sflag:s13], $0x4000  }
0x12: {  	s12 =	smov.u32 s10;
	s9 =	sadd.s32 $0x4000, s9;
	[sflag:s13] =	ssyncset.done @!p0 $0x0  }
0x13: {  	s11 =	smov.u32 s15;
	s10 =	smov.u32 s14;
	[sflag:s13] =	ssyncadd.s32 @!p0 $0xFFFFC000  }
.LBB1_1:
0x14: {  	p0 =	sge.u32 s11, s6  }
0x15: {  	s13 =	sxor.u32 @!p0 $0xFFFFFFFF, s11  }
0x16: {  	s31 =	sadd.s32 $0xFFFFFFFF, s11;
	s14 =	sshll.u32 @!p0 s10, $0xA;
	s13 =	sshll.u32 @!p0 s13, $0xE  }
0x17: {  	s15 =	simm.s32 @!p0 $0x0;
	s14 =	sadd.s32 @!p0 s2, s14;
	s13 =	sand.u32 @!p0 $0x4000, s13  }
0x18: {  	[tilespmem:s13], [sflag:$0x1] =	stream.linear.gather @!p0 [hbm4b:s14+s15], $0x4000, $0x38;
	[tilespmem:$0x10000] =	vst v63  }
0x19: {  	p0 =	sge.u32 s31, s6  }
.Ltmp2:
0x1a: {  	_ = 	snop;
	(pc) =	sbr.rel @p0 .LBB1_9-.Ltmp2, $1  }
0x1b: {  	_ =	sdelay $0x3  }
0x1c: {  	s13 =	sshll.u32 s9, $0x2  }
0x1d: {  	_ =	swait.ge [sflag:s5], $0x4000;
	s14 =	sshll.u32 s11, $0xE;
	s16 =	simm.s32 $0x0  }
0x1e: {  	p1 =	por $0x1, $0x1;
	s13 =	sand.u32 $0x10000, s13;
	[sflag:s5] =	ssyncset.done $0x0  }
0x1f: {  	s14 =	sand.u32 $0x4000, s14;
	s15 =	sshrl.u32 s13, $0x2;
	[sflag:s5] =	ssyncadd.s32 $0xFFFFC000  }
0x20: {  	s13 =	sor.u32 $0x8000, s14;
	s14 =	sadd.s32 $0x8040, s15;
	s15 =	sadd.s32 $0x40, s15  }
.LBB1_3:
0x21: {  	s16 =	sshll.u32 s16, $0x2  }
0x22: {  	p0 =	por p1, p1;
	s17 =	sshra.s32 s16, $0x2  }
0x23: {  	s18 =	simm.s32 $0x0;
	s16 =	sadd.s32 s17, s14;
	s17 =	sadd.s32 s17, s15  }
.LBB1_4:
0x24: {  	v0 =	vmov s17;
	_ =	sdelay $0x3  }
0x25: {  	s20 =	simm.s32 $0x0  }
0x26: {  	v6 =	vld.idx.msk [tilespmem:v0+s20+$0x30 ss:$0x1], $0xffff  }
0x27: {  	v7 =	vld.idx.msk [tilespmem:v0+s20+$0xFFFFFFC0 ss:$0x1], $0xffff  }
0x28: {  	v5 =	vld.idx.msk [tilespmem:v0+s20+$0xFFFFFFD0 ss:$0x1], $0xffff  }
0x29: {  	v4 =	vld.idx.msk [tilespmem:v0+s20+$0xFFFFFFE0 ss:$0x1], $0xffff  }
0x2a: {  	v3 =	vld.idx.msk [tilespmem:v0+s20+$0xFFFFFFF0 ss:$0x1], $0xffff  }
0x2b: {  	v1 =	vld.idx.msk [tilespmem:v0+s20+$0x0 ss:$0x1], $0xffff  }
0x2c: {  	v2 =	vld.idx.msk [tilespmem:v0+s20+$0x10 ss:$0x1], $0xffff;
	[tilespmem:s16+$0x30] =	vst v6  }
0x2d: {  	s19 =	simm.s32 $0x80;
	s21 =	simm.s32 $0x400;
	[tilespmem:s16+$0xFFFFFFC0] =	vst v7;
	v6 =	vld.idx.msk [tilespmem:v0+s20+$0x20 ss:$0x1], $0xffff;
	s20 =	smov.u32 s16  }
.LBB1_5:
0x2e: {  	p1 =	sne.s32 s21, $0xE00;
	v7 =	vld.idx.msk [tilespmem:v0+s19+$0x30 ss:$0x1], $0xffff;
	[tilespmem:s20+$0xFFFFFFD0] =	vst v5  }
0x2f: {  	v8 =	vld.idx.msk [tilespmem:v0+s19+$0xFFFFFFC0 ss:$0x1], $0xffff;
	[tilespmem:s20+$0xFFFFFFE0] =	vst v4  }
0x30: {  	v5 =	vld.idx.msk [tilespmem:v0+s19+$0xFFFFFFD0 ss:$0x1], $0xffff;
	[tilespmem:s20+$0xFFFFFFF0] =	vst v3  }
.Ltmp3:
0x31: {  	v4 =	vld.idx.msk [tilespmem:v0+s19+$0xFFFFFFE0 ss:$0x1], $0xffff;
	[tilespmem:s20+$0x0] =	vst v1;
	(pc) =	sbr.rel @p1 .LBB1_5-.Ltmp3, $4  }
0x32: {  	v3 =	vld.idx.msk [tilespmem:v0+s19+$0xFFFFFFF0 ss:$0x1], $0xffff;
	[tilespmem:s20+$0x10] =	vst v2  }
0x33: {  	v1 =	vld.idx.msk [tilespmem:v0+s19+$0x0 ss:$0x1], $0xffff;
	[tilespmem:s20+$0x20] =	vst v6;
	s20 =	sadd.s32 $0x400, s20  }
0x34: {  	v2 =	vld.idx.msk [tilespmem:v0+s19+$0x10 ss:$0x1], $0xffff;
	[tilespmem:s20+$0x30] =	vst v7  }
0x35: {  	[tilespmem:s20+$0xFFFFFFC0] =	vst v8;
	v6 =	vld.idx.msk [tilespmem:v0+s19+$0x20 ss:$0x1], $0xffff;
	s19 =	sshra.s32 s21, $0x2;
	s21 =	sadd.s32 $0x200, s21  }
0x36: {  	_ =	sdelay $0x2  }
0x37: {  	[tilespmem:s20+$0xFFFFFFD0] =	vst v5  }
0x38: {  	v56 =	vld.idx.msk [tilespmem:v0+s19+$0x30 ss:$0x1], $0xffff;
	[tilespmem:s20+$0xFFFFFFE0] =	vst v4  }
0x39: {  	v57 =	vld.idx.msk [tilespmem:v0+s19+$0xFFFFFFC0 ss:$0x1], $0xffff;
	[tilespmem:s20+$0xFFFFFFF0] =	vst v3  }
0x3a: {  	v58 =	vld.idx.msk [tilespmem:v0+s19+$0xFFFFFFD0 ss:$0x1], $0xffff;
	[tilespmem:s20+$0x0] =	vst v1  }
0x3b: {  	v59 =	vld.idx.msk [tilespmem:v0+s19+$0xFFFFFFE0 ss:$0x1], $0xffff;
	[tilespmem:s20+$0x10] =	vst v2  }
0x3c: {  	v60 =	vld.idx.msk [tilespmem:v0+s19+$0xFFFFFFF0 ss:$0x1], $0xffff;
	s31 =	sadd.s32 $0x400, s20;
	[tilespmem:s20+$0x20] =	vst v6  }
0x3d: {  	v61 =	vld.idx.msk [tilespmem:v0+s19+$0x0 ss:$0x1], $0xffff;
	[tilespmem:s31+$0x30] =	vst v56  }
0x3e: {  	v62 =	vld.idx.msk [tilespmem:v0+s19+$0x10 ss:$0x1], $0xffff;
	s18 =	sadd.s32 $0x1, s18;
	[tilespmem:s31+$0xFFFFFFC0] =	vst v57  }
0x3f: {  	v63 =	vld.idx.msk [tilespmem:v0+s19+$0x20 ss:$0x1], $0xffff;
	p1 =	sne.s32 s18, $0x8;
	[tilespmem:s31+$0xFFFFFFD0] =	vst v58  }
.Ltmp4:
0x40: {  	[tilespmem:s31+$0xFFFFFFE0] =	vst v59;
	(pc) =	sbr.rel @p1 .LBB1_4-.Ltmp4, $4  }
0x41: {  	[tilespmem:s31+$0xFFFFFFF0] =	vst v60  }
0x42: {  	[tilespmem:s31+$0x0] =	vst v61  }
0x43: {  	[tilespmem:s31+$0x10] =	vst v62  }
0x44: {  	s16 =	sadd.s32 $0x80, s16;
	s17 =	sadd.s32 $0x400, s17;
	[tilespmem:s31+$0x20] =	vst v63  }
.Ltmp5:
0x45: {  	(pc) =	sbr.rel @p0 .LBB1_3-.Ltmp5, $2  }
0x46: {  	_ =	sdelay $0x2  }
0x47: {  	s16 =	simm.s32 $0x2000;
	p1 =	por $0x0, $0x0  }
.Ltmp6:
0x48: {  	(pc) =	sbr.rel .LBB1_9-.Ltmp6, $4  }
0x49: {  	_ = 	snop  }
0x4a: {  	s12 =	sshll.u32 s12, $0xA  }
0x4b: {  	s12 =	sadd.s32 s4, s12  }
0x4c: {  	[hbm4b:s12+s8] =	stream.linear.scatter [tilespmem:s13], [sflag:$0x2], $0x4000, $0x38;
	[tilespmem:$0x10000] =	vst v63  }
.LBB1_10:
0x4d: {  	_ =	sfence.sel $0x180000  }
0x4e: {  	s2 =	simm.s32 $0x1;
	[bflag:$0x0] =	sbarrier.arrive $0xFFFF  }
0x4f: {  	s31 =	simm.s32 $0x2;
	[sflag:s2] =	ssyncpa.u1 $0x1  }
0x50: {  	[sflag:s31] =	ssyncpa.u1 $0x1  }
0x51: {  	p0 =	sne.s32 s0, $0x0;
	_ =	strace $0x90000047  }
0x52: {  	s0 =	sadd.s32 @!p0 $0x100000, s1;
	[bflag:$0x2] =	sbarrier.arrive $0xFFFF  }
0x53: {  	[sflag:s0] =	ssyncadd.tile.s32 @!p0 $0x1;
	_ =	shalt  }
.Lfunc_end1:
_tile_overlayer_lowered:
.L_overlay_start_2:
0x54: {  	(tag) =	ssettag $0x2  }
0x55: {  	s0 =	rddreg [dreg:$0x0];
	s2 =	stileid.u32  }
0x56: {  	s1 =	rddreg [dreg:$0x1];
	p0 =	sne.s32 s2, $0x0  }
0x57: {  	s3 =	rddreg [dreg:$0x2];
	[bflag:$0x3] =	sbarrier.arrive $0xFFFF;
	s2 =	simm.s32 @!p0 $0x1C01  }
0x58: {  	[timem:s3], [sflag:s2] =	dma.local @!p0 [hbm:s0], s1  }
0x59: {  	s0 =	simm.s32 @!p0 $0x1  }
0x5a: {  	_ =	swait.ge @!p0 [sflag:s0], s1  }
0x5b: {  	s1 =	ssub.s32 @!p0 $0x0, s1;
	[sflag:s0] =	ssyncset.done @!p0 $0x0  }
0x5c: {  	[sflag:s0] =	ssyncadd.s32 @!p0 s1  }
0x5d: {  	[bflag:$0x3] =	sbarrier.arrive $0xFFFF  }
0x5e: {  	_ =	shalt  }

</sc_bundles>
